<compile_context>
chip_gen: v7x
topology: tpu7x:2x2x1
jax: 0.10.2.dev20260603
libtpu: 0.0.44.dev20260713+nightly
codegen_flags: <defaults>
</compile_context>

<pallas_src>
import jax
import jax.numpy as jnp
from jax import lax
from jax.experimental import pallas as pl
from jax.experimental.pallas import tpu as pltpu
from jax.experimental.pallas import tpu_sc as plsc

VOCAB = 1_000_000
ROWS, COLS = 16384, 200
NC, NS, L = 2, 16, 16
NW = NC * NS
CH_R, CH_C = 40, 128
CHUNK = CH_R * CH_C
WB = ROWS // CH_C
N_CHUNKS = (COLS // CH_R) * WB // NW
STAGE_SUB = 10_000
N_SUB = VOCAB // STAGE_SUB
MAX_JJ = (N_SUB + NS - 1) // NS


def _body(ids_hbm, proj_hbm, out_hbm, in2d_v, out2d0_v, out2d1_v, idx0_v,
          idx1_v, val0_v, val1_v, stg0_v, stg1_v, table_sh, gsem0, gsem1,
          lsem, ssem0, ssem1):
    cid = lax.axis_index("c")
    sid = lax.axis_index("s")
    wid = sid * NC + cid
    idx_bufs = (idx0_v, idx1_v)
    val_bufs = (val0_v, val1_v)
    out_bufs = (out2d0_v, out2d1_v)
    stg_bufs = (stg0_v, stg1_v)
    gsems = (gsem0, gsem1)
    ssems = (ssem0, ssem1)

    def chunk_slices(k):
        m = wid * N_CHUNKS + k
        return pl.ds((m // WB) * CH_R, CH_R), pl.ds((m % WB) * CH_C, CH_C)

    def load_fire(k):
        ra, ca = chunk_slices(k)
        return pltpu.async_copy(ids_hbm.at[ra, ca], in2d_v, lsem)

    def flatten(parity):
        idx_v = idx_bufs[parity]

        @plsc.parallel_loop(0, CHUNK, L, unroll=4)
        def _clamp(p):
            x = in2d_v[p // CH_C, pl.ds(p % CH_C, L)]
            idx_v[pl.ds(p, L)] = jnp.minimum(jnp.maximum(x, 0), VOCAB - 1)

    def unflatten(parity):
        val_v = val_bufs[parity]
        out_v = out_bufs[parity]

        @plsc.parallel_loop(0, CHUNK, L, unroll=4)
        def _un(p):
            out_v[p // CH_C, pl.ds(p % CH_C, L)] = val_v[pl.ds(p, L)]

    def gather_fire(parity):
        pltpu.async_copy(table_sh.at[idx_bufs[parity]], val_bufs[parity],
                         gsems[parity])

    def gather_wait(parity):
        pltpu.make_async_copy(proj_hbm.at[pl.ds(0, CHUNK)],
                              val_bufs[parity], gsems[parity]).wait()

    def store_fire(k, parity):
        ra, ca = chunk_slices(k)
        pltpu.async_copy(out_bufs[parity], out_hbm.at[ra, ca], ssems[parity])

    def store_drain(parity):
        pltpu.make_async_copy(ids_hbm.at[pl.ds(0, CH_R), pl.ds(0, CH_C)],
                              out_bufs[parity], ssems[parity]).wait()

    ld0 = load_fire(0)

    for jj in range(MAX_JJ):
        j = sid + jj * NS

        @pl.when(j < N_SUB)
        def _stage():
            h = jj % 2
            off = j * STAGE_SUB
            if jj >= 2:
                pltpu.make_async_copy(proj_hbm.at[pl.ds(0, STAGE_SUB)],
                                      stg_bufs[h], ssems[h]).wait()
            pltpu.async_copy(proj_hbm.at[pl.ds(off, STAGE_SUB)],
                             stg_bufs[h], lsem).wait()
            pltpu.async_copy(stg_bufs[h], table_sh.at[pl.ds(off, STAGE_SUB)],
                             ssems[h])

    for h in range(2):
        pltpu.make_async_copy(proj_hbm.at[pl.ds(0, STAGE_SUB)],
                              stg_bufs[h], ssems[h]).wait()

    ld0.wait()
    flatten(0)
    plsc.subcore_barrier()

    gather_fire(0)
    ld1 = load_fire(1)
    ld1.wait()
    flatten(1)

    def steady(k, parity):
        gather_fire(parity)

        @pl.when(k + 1 < N_CHUNKS)
        def _pf_fire():
            load_fire(k + 1)

        gather_wait(1 - parity)

        @pl.when(k >= 3)
        def _drain():
            store_drain(1 - parity)

        unflatten(1 - parity)
        store_fire(k - 1, 1 - parity)

        @pl.when(k + 1 < N_CHUNKS)
        def _pf_flat():
            pltpu.make_async_copy(
                ids_hbm.at[pl.ds(0, CH_R), pl.ds(0, CH_C)], in2d_v,
                lsem).wait()
            flatten(1 - parity)

    @pl.loop(1, N_CHUNKS - 1, step=2)
    def _pair(k):
        steady(k, 1)
        steady(k + 1, 0)

    steady(N_CHUNKS - 1, 1)

    gather_wait(1)
    store_drain(1)
    unflatten(1)
    store_fire(N_CHUNKS - 1, 1)
    store_drain(0)
    store_drain(1)


@jax.jit
def _run(ids_t, projection):
    mesh = plsc.VectorSubcoreMesh(core_axis_name="c", subcore_axis_name="s")
    return pl.kernel(
        _body,
        out_type=pltpu.HBM((COLS, ROWS), jnp.int32),
        mesh=mesh,
        scratch_types=[
            pltpu.VMEM((CH_R, CH_C), jnp.int32),
            pltpu.VMEM((CH_R, CH_C), jnp.int32),
            pltpu.VMEM((CH_R, CH_C), jnp.int32),
            pltpu.VMEM((CHUNK,), jnp.int32),
            pltpu.VMEM((CHUNK,), jnp.int32),
            pltpu.VMEM((CHUNK,), jnp.int32),
            pltpu.VMEM((CHUNK,), jnp.int32),
            pltpu.VMEM((STAGE_SUB,), jnp.int32),
            pltpu.VMEM((STAGE_SUB,), jnp.int32),
            pltpu.VMEM_SHARED((VOCAB,), jnp.int32),
            pltpu.SemaphoreType.DMA,
            pltpu.SemaphoreType.DMA,
            pltpu.SemaphoreType.DMA,
            pltpu.SemaphoreType.DMA,
            pltpu.SemaphoreType.DMA,
        ],
    )(ids_t, projection)


def kernel(token_ids, projection):
    ids_t = token_ids.astype(jnp.int32).T
    out_t = _run(ids_t, projection.astype(jnp.int32))
    return out_t.T

# --- scband reference (transcript-rebuilt; emitter-appended) ---
"""Pipeline reference for scband-tokenizer-compressor-78778290144014 (READ-ONLY COPY).

The authoritative reference and input builder live on the scoring server;
editing this copy changes nothing except your own understanding.
"""

import jax, jax.numpy as jnp
import numpy as np

VOCAB_SIZE = 1000000
COMPRESSED_VOCAB_SIZE = 100000

def setup_inputs(seed: int = 0) -> dict:
    key = jax.random.key(seed)
    k1, k2 = jax.random.split(key)
    token_ids = jax.random.randint(k1, (16384, 200), 0, VOCAB_SIZE, dtype=jnp.int64 if jax.config.jax_enable_x64 else jnp.int32)
    projection = jax.random.randint(k2, (VOCAB_SIZE,), 0, COMPRESSED_VOCAB_SIZE, dtype=jnp.int64 if jax.config.jax_enable_x64 else jnp.int32)
    return {"token_ids": token_ids, "projection": projection}

def reference(token_ids, projection):
    # clamp raw token ids into table range, then gather compressed ids
    clamped = jnp.clip(token_ids, 0, VOCAB_SIZE - 1)
    return jnp.take(projection, clamped, axis=0)

if __name__ == "__main__":
    import jax
    _d = setup_inputs()
    print(jax.jit(kernel)(*tuple(_d.values())))

</pallas_src>

<mosaic_0001>
#map = affine_map<(d0, d1) -> (0, 0)>
#map1 = affine_map<(d0, d1) -> (0)>
module attributes {stable_mosaic.version = 14 : i64} {
  func.func @_body(%arg0: i32, %arg1: i32, %arg2: memref<200x16384xi32, #tpu.memory_space<hbm>>, %arg3: memref<1000000xi32, #tpu.memory_space<hbm>>, %arg4: memref<200x16384xi32, #tpu.memory_space<hbm>>, %arg5: memref<40x128xi32, #tpu.memory_space<vmem>>, %arg6: memref<40x128xi32, #tpu.memory_space<vmem>>, %arg7: memref<40x128xi32, #tpu.memory_space<vmem>>, %arg8: memref<5120xi32, #tpu.memory_space<vmem>>, %arg9: memref<5120xi32, #tpu.memory_space<vmem>>, %arg10: memref<5120xi32, #tpu.memory_space<vmem>>, %arg11: memref<5120xi32, #tpu.memory_space<vmem>>, %arg12: memref<10000xi32, #tpu.memory_space<vmem>>, %arg13: memref<10000xi32, #tpu.memory_space<vmem>>, %arg14: memref<1000000xi32, #tpu.memory_space<vmem_shared>>, %arg15: memref<!tpu.dma_semaphore, #tpu.memory_space<semaphore_mem>>, %arg16: memref<!tpu.dma_semaphore, #tpu.memory_space<semaphore_mem>>, %arg17: memref<!tpu.dma_semaphore, #tpu.memory_space<semaphore_mem>>, %arg18: memref<!tpu.dma_semaphore, #tpu.memory_space<semaphore_mem>>, %arg19: memref<!tpu.dma_semaphore, #tpu.memory_space<semaphore_mem>>) attributes {dimension_semantics = [#tpu.dimension_semantics<core_parallel>, #tpu.dimension_semantics<subcore_parallel>], iteration_bounds = array<i64: 2, 16>, scalar_prefetch = 0 : i64, scratch_operands = 15 : i64, tpu.core_type = #tpu.core_type<sc_vector_subcore>, window_params = [{transform_indices = #map}, {transform_indices = #map1}, {transform_indices = #map}]} {
    %mul3A = arith.constant 2 : i32
    %mul3A_0 = arith.muli %arg1, %mul3A : i32
    %add3A = arith.addi %mul3A_0, %arg0 : i32
    %mul3A_1 = arith.constant 20 : i32
    %mul3A_2 = arith.muli %add3A, %mul3A_1 : i32
    %add3A_3 = arith.constant 0 : i32
    %add3A_4 = arith.addi %mul3A_2, %add3A_3 : i32
    %jit3A = arith.constant 128 : i32
    %div3A = arith.divsi %add3A_4, %jit3A : i32
    %sign3A = arith.constant 0 : i32
    %sign3A_5 = arith.cmpi sgt, %add3A_4, %sign3A : i32
    %sign3A_6 = arith.extui %sign3A_5 : i1 to i32
    %sign3A_7 = arith.constant 0 : i32
    %sign3A_8 = arith.cmpi slt, %add3A_4, %sign3A_7 : i32
    %sign3A_9 = arith.extui %sign3A_8 : i1 to i32
    %sign3A_10 = arith.subi %sign3A_6, %sign3A_9 : i32
    %sign3A_11 = arith.constant 0 : i32
    %sign3A_12 = arith.cmpi sgt, %jit3A, %sign3A_11 : i32
    %sign3A_13 = arith.extui %sign3A_12 : i1 to i32
    %sign3A_14 = arith.constant 0 : i32
    %sign3A_15 = arith.cmpi slt, %jit3A, %sign3A_14 : i32
    %sign3A_16 = arith.extui %sign3A_15 : i1 to i32
    %sign3A_17 = arith.subi %sign3A_13, %sign3A_16 : i32
    %ne3A = arith.cmpi ne, %sign3A_10, %sign3A_17 : i32
    %rem3A = arith.remsi %add3A_4, %jit3A : i32
    %ne3A_18 = arith.constant 0 : i32
    %ne3A_19 = arith.cmpi ne, %rem3A, %ne3A_18 : i32
    %and3A = arith.andi %ne3A, %ne3A_19 : i1
    %sub3A = arith.constant 1 : i32
    %sub3A_20 = arith.subi %div3A, %sub3A : i32
    %select_n3A = arith.select %and3A, %sub3A_20, %div3A : i32
    %mul3A_21 = arith.constant 40 : i32
    %mul3A_22 = arith.muli %select_n3A, %mul3A_21 : i32
    %jit3A_23 = arith.constant 128 : i32
    %eq3A = arith.constant 0 : i32
    %eq3A_24 = arith.cmpi eq, %jit3A_23, %eq3A : i32
    %jit3A_25 = arith.constant 1 : i32
    %select_n3A_26 = arith.select %eq3A_24, %jit3A_25, %jit3A_23 : i32
    %rem3A_27 = arith.remsi %add3A_4, %select_n3A_26 : i32
    %ne3A_28 = arith.constant 0 : i32
    %ne3A_29 = arith.cmpi ne, %rem3A_27, %ne3A_28 : i32
    %lt3A = arith.constant 0 : i32
    %lt3A_30 = arith.cmpi slt, %rem3A_27, %lt3A : i32
    %lt3A_31 = arith.constant 0 : i32
    %lt3A_32 = arith.cmpi slt, %select_n3A_26, %lt3A_31 : i32
    %ne3A_33 = arith.xori %lt3A_30, %lt3A_32 : i1
    %and3A_34 = arith.andi %ne3A_33, %ne3A_29 : i1
    %add3A_35 = arith.addi %rem3A_27, %select_n3A_26 : i32
    %select_n3A_36 = arith.select %and3A_34, %add3A_35, %rem3A_27 : i32
    %mul3A_37 = arith.constant 128 : i32
    %mul3A_38 = arith.muli %select_n3A_36, %mul3A_37 : i32
    %dma_start3A = tpu.memref_slice %arg2[%mul3A_22, %mul3A_38] : memref<200x16384xi32, #tpu.memory_space<hbm>> -> memref<40x128xi32, #tpu.memory_space<hbm>>
    %dma_start3A_39 = tpu.memref_slice %arg2[%mul3A_22, %mul3A_38] : memref<200x16384xi32, #tpu.memory_space<hbm>> -> memref<40x128xi32, #tpu.memory_space<hbm>>
    tpu.enqueue_dma source(%dma_start3A_39 : memref<40x128xi32, #tpu.memory_space<hbm>>) target(%arg5 : memref<40x128xi32, #tpu.memory_space<vmem>>) target_semaphore(%arg17 : memref<!tpu.dma_semaphore, #tpu.memory_space<semaphore_mem>>)
    %add3A_40 = arith.constant 0 : i32
    %add3A_41 = arith.addi %arg1, %add3A_40 : i32
    %lt3A_42 = arith.constant 100 : i32
    %lt3A_43 = arith.cmpi slt, %add3A_41, %lt3A_42 : i32
    %convert_element_type3A = arith.extui %lt3A_43 : i1 to i32
    %cond3A = arith.constant 0 : i32
    %cond3A_44 = arith.cmpi ne, %convert_element_type3A, %cond3A : i32
    scf.if %cond3A_44 {
      %mul3A_299 = arith.constant 10000 : i32
      %mul3A_300 = arith.muli %add3A_41, %mul3A_299 : i32
      %dma_start3A_301 = tpu.memref_slice %arg3[%mul3A_300] : memref<1000000xi32, #tpu.memory_space<hbm>> -> memref<10000xi32, #tpu.memory_space<hbm>>
      %dma_start3A_302 = tpu.memref_slice %arg3[%mul3A_300] : memref<1000000xi32, #tpu.memory_space<hbm>> -> memref<10000xi32, #tpu.memory_space<hbm>>
      tpu.enqueue_dma source(%dma_start3A_302 : memref<10000xi32, #tpu.memory_space<hbm>>) target(%arg12 : memref<10000xi32, #tpu.memory_space<vmem>>) target_semaphore(%arg17 : memref<!tpu.dma_semaphore, #tpu.memory_space<semaphore_mem>>)
      %dma_wait3A_303 = tpu.memref_slice %arg3[%mul3A_300] : memref<1000000xi32, #tpu.memory_space<hbm>> -> memref<10000xi32, #tpu.memory_space<hbm>>
      %dma_wait3A_304 = tpu.memref_slice %arg3[%mul3A_300] : memref<1000000xi32, #tpu.memory_space<hbm>> -> memref<10000xi32, #tpu.memory_space<hbm>>
      tpu.wait_dma2 semaphore(%arg17 : memref<!tpu.dma_semaphore, #tpu.memory_space<semaphore_mem>>) src(%dma_wait3A_304 : memref<10000xi32, #tpu.memory_space<hbm>>) dst(%arg12 : memref<10000xi32, #tpu.memory_space<vmem>>)
      %dma_start3A_305 = tpu.memref_slice %arg14[%mul3A_300] : memref<1000000xi32, #tpu.memory_space<vmem_shared>> -> memref<10000xi32, #tpu.memory_space<vmem_shared>>
      %dma_start3A_306 = tpu.memref_slice %arg14[%mul3A_300] : memref<1000000xi32, #tpu.memory_space<vmem_shared>> -> memref<10000xi32, #tpu.memory_space<vmem_shared>>
      tpu.enqueue_dma source(%arg12 : memref<10000xi32, #tpu.memory_space<vmem>>) target(%dma_start3A_306 : memref<10000xi32, #tpu.memory_space<vmem_shared>>) target_semaphore(%arg18 : memref<!tpu.dma_semaphore, #tpu.memory_space<semaphore_mem>>)
    } else {
    }
    %add3A_45 = arith.constant 16 : i32
    %add3A_46 = arith.addi %arg1, %add3A_45 : i32
    %lt3A_47 = arith.constant 100 : i32
    %lt3A_48 = arith.cmpi slt, %add3A_46, %lt3A_47 : i32
    %convert_element_type3A_49 = arith.extui %lt3A_48 : i1 to i32
    %cond3A_50 = arith.constant 0 : i32
    %cond3A_51 = arith.cmpi ne, %convert_element_type3A_49, %cond3A_50 : i32
    scf.if %cond3A_51 {
      %mul3A_299 = arith.constant 10000 : i32
      %mul3A_300 = arith.muli %add3A_46, %mul3A_299 : i32
      %dma_start3A_301 = tpu.memref_slice %arg3[%mul3A_300] : memref<1000000xi32, #tpu.memory_space<hbm>> -> memref<10000xi32, #tpu.memory_space<hbm>>
      %dma_start3A_302 = tpu.memref_slice %arg3[%mul3A_300] : memref<1000000xi32, #tpu.memory_space<hbm>> -> memref<10000xi32, #tpu.memory_space<hbm>>
      tpu.enqueue_dma source(%dma_start3A_302 : memref<10000xi32, #tpu.memory_space<hbm>>) target(%arg13 : memref<10000xi32, #tpu.memory_space<vmem>>) target_semaphore(%arg17 : memref<!tpu.dma_semaphore, #tpu.memory_space<semaphore_mem>>)
      %dma_wait3A_303 = tpu.memref_slice %arg3[%mul3A_300] : memref<1000000xi32, #tpu.memory_space<hbm>> -> memref<10000xi32, #tpu.memory_space<hbm>>
      %dma_wait3A_304 = tpu.memref_slice %arg3[%mul3A_300] : memref<1000000xi32, #tpu.memory_space<hbm>> -> memref<10000xi32, #tpu.memory_space<hbm>>
      tpu.wait_dma2 semaphore(%arg17 : memref<!tpu.dma_semaphore, #tpu.memory_space<semaphore_mem>>) src(%dma_wait3A_304 : memref<10000xi32, #tpu.memory_space<hbm>>) dst(%arg13 : memref<10000xi32, #tpu.memory_space<vmem>>)
      %dma_start3A_305 = tpu.memref_slice %arg14[%mul3A_300] : memref<1000000xi32, #tpu.memory_space<vmem_shared>> -> memref<10000xi32, #tpu.memory_space<vmem_shared>>
      %dma_start3A_306 = tpu.memref_slice %arg14[%mul3A_300] : memref<1000000xi32, #tpu.memory_space<vmem_shared>> -> memref<10000xi32, #tpu.memory_space<vmem_shared>>
      tpu.enqueue_dma source(%arg13 : memref<10000xi32, #tpu.memory_space<vmem>>) target(%dma_start3A_306 : memref<10000xi32, #tpu.memory_space<vmem_shared>>) target_semaphore(%arg19 : memref<!tpu.dma_semaphore, #tpu.memory_space<semaphore_mem>>)
    } else {
    }
    %add3A_52 = arith.constant 32 : i32
    %add3A_53 = arith.addi %arg1, %add3A_52 : i32
    %lt3A_54 = arith.constant 100 : i32
    %lt3A_55 = arith.cmpi slt, %add3A_53, %lt3A_54 : i32
    %convert_element_type3A_56 = arith.extui %lt3A_55 : i1 to i32
    %cond3A_57 = arith.constant 0 : i32
    %cond3A_58 = arith.cmpi ne, %convert_element_type3A_56, %cond3A_57 : i32
    scf.if %cond3A_58 {
      %mul3A_299 = arith.constant 10000 : i32
      %mul3A_300 = arith.muli %add3A_53, %mul3A_299 : i32
      %dma_wait3A_301 = arith.constant 0 : i32
      %dma_wait3A_302 = tpu.memref_slice %arg3[%dma_wait3A_301] : memref<1000000xi32, #tpu.memory_space<hbm>> -> memref<10000xi32, #tpu.memory_space<hbm>>
      %dma_wait3A_303 = arith.constant 0 : i32
      %dma_wait3A_304 = tpu.memref_slice %arg3[%dma_wait3A_303] : memref<1000000xi32, #tpu.memory_space<hbm>> -> memref<10000xi32, #tpu.memory_space<hbm>>
      tpu.wait_dma2 semaphore(%arg18 : memref<!tpu.dma_semaphore, #tpu.memory_space<semaphore_mem>>) src(%dma_wait3A_304 : memref<10000xi32, #tpu.memory_space<hbm>>) dst(%arg12 : memref<10000xi32, #tpu.memory_space<vmem>>)
      %dma_start3A_305 = tpu.memref_slice %arg3[%mul3A_300] : memref<1000000xi32, #tpu.memory_space<hbm>> -> memref<10000xi32, #tpu.memory_space<hbm>>
      %dma_start3A_306 = tpu.memref_slice %arg3[%mul3A_300] : memref<1000000xi32, #tpu.memory_space<hbm>> -> memref<10000xi32, #tpu.memory_space<hbm>>
      tpu.enqueue_dma source(%dma_start3A_306 : memref<10000xi32, #tpu.memory_space<hbm>>) target(%arg12 : memref<10000xi32, #tpu.memory_space<vmem>>) target_semaphore(%arg17 : memref<!tpu.dma_semaphore, #tpu.memory_space<semaphore_mem>>)
      %dma_wait3A_307 = tpu.memref_slice %arg3[%mul3A_300] : memref<1000000xi32, #tpu.memory_space<hbm>> -> memref<10000xi32, #tpu.memory_space<hbm>>
      %dma_wait3A_308 = tpu.memref_slice %arg3[%mul3A_300] : memref<1000000xi32, #tpu.memory_space<hbm>> -> memref<10000xi32, #tpu.memory_space<hbm>>
      tpu.wait_dma2 semaphore(%arg17 : memref<!tpu.dma_semaphore, #tpu.memory_space<semaphore_mem>>) src(%dma_wait3A_308 : memref<10000xi32, #tpu.memory_space<hbm>>) dst(%arg12 : memref<10000xi32, #tpu.memory_space<vmem>>)
      %dma_start3A_309 = tpu.memref_slice %arg14[%mul3A_300] : memref<1000000xi32, #tpu.memory_space<vmem_shared>> -> memref<10000xi32, #tpu.memory_space<vmem_shared>>
      %dma_start3A_310 = tpu.memref_slice %arg14[%mul3A_300] : memref<1000000xi32, #tpu.memory_space<vmem_shared>> -> memref<10000xi32, #tpu.memory_space<vmem_shared>>
      tpu.enqueue_dma source(%arg12 : memref<10000xi32, #tpu.memory_space<vmem>>) target(%dma_start3A_310 : memref<10000xi32, #tpu.memory_space<vmem_shared>>) target_semaphore(%arg18 : memref<!tpu.dma_semaphore, #tpu.memory_space<semaphore_mem>>)
    } else {
    }
    %add3A_59 = arith.constant 48 : i32
    %add3A_60 = arith.addi %arg1, %add3A_59 : i32
    %lt3A_61 = arith.constant 100 : i32
    %lt3A_62 = arith.cmpi slt, %add3A_60, %lt3A_61 : i32
    %convert_element_type3A_63 = arith.extui %lt3A_62 : i1 to i32
    %cond3A_64 = arith.constant 0 : i32
    %cond3A_65 = arith.cmpi ne, %convert_element_type3A_63, %cond3A_64 : i32
    scf.if %cond3A_65 {
      %mul3A_299 = arith.constant 10000 : i32
      %mul3A_300 = arith.muli %add3A_60, %mul3A_299 : i32
      %dma_wait3A_301 = arith.constant 0 : i32
      %dma_wait3A_302 = tpu.memref_slice %arg3[%dma_wait3A_301] : memref<1000000xi32, #tpu.memory_space<hbm>> -> memref<10000xi32, #tpu.memory_space<hbm>>
      %dma_wait3A_303 = arith.constant 0 : i32
      %dma_wait3A_304 = tpu.memref_slice %arg3[%dma_wait3A_303] : memref<1000000xi32, #tpu.memory_space<hbm>> -> memref<10000xi32, #tpu.memory_space<hbm>>
      tpu.wait_dma2 semaphore(%arg19 : memref<!tpu.dma_semaphore, #tpu.memory_space<semaphore_mem>>) src(%dma_wait3A_304 : memref<10000xi32, #tpu.memory_space<hbm>>) dst(%arg13 : memref<10000xi32, #tpu.memory_space<vmem>>)
      %dma_start3A_305 = tpu.memref_slice %arg3[%mul3A_300] : memref<1000000xi32, #tpu.memory_space<hbm>> -> memref<10000xi32, #tpu.memory_space<hbm>>
      %dma_start3A_306 = tpu.memref_slice %arg3[%mul3A_300] : memref<1000000xi32, #tpu.memory_space<hbm>> -> memref<10000xi32, #tpu.memory_space<hbm>>
      tpu.enqueue_dma source(%dma_start3A_306 : memref<10000xi32, #tpu.memory_space<hbm>>) target(%arg13 : memref<10000xi32, #tpu.memory_space<vmem>>) target_semaphore(%arg17 : memref<!tpu.dma_semaphore, #tpu.memory_space<semaphore_mem>>)
      %dma_wait3A_307 = tpu.memref_slice %arg3[%mul3A_300] : memref<1000000xi32, #tpu.memory_space<hbm>> -> memref<10000xi32, #tpu.memory_space<hbm>>
      %dma_wait3A_308 = tpu.memref_slice %arg3[%mul3A_300] : memref<1000000xi32, #tpu.memory_space<hbm>> -> memref<10000xi32, #tpu.memory_space<hbm>>
      tpu.wait_dma2 semaphore(%arg17 : memref<!tpu.dma_semaphore, #tpu.memory_space<semaphore_mem>>) src(%dma_wait3A_308 : memref<10000xi32, #tpu.memory_space<hbm>>) dst(%arg13 : memref<10000xi32, #tpu.memory_space<vmem>>)
      %dma_start3A_309 = tpu.memref_slice %arg14[%mul3A_300] : memref<1000000xi32, #tpu.memory_space<vmem_shared>> -> memref<10000xi32, #tpu.memory_space<vmem_shared>>
      %dma_start3A_310 = tpu.memref_slice %arg14[%mul3A_300] : memref<1000000xi32, #tpu.memory_space<vmem_shared>> -> memref<10000xi32, #tpu.memory_space<vmem_shared>>
      tpu.enqueue_dma source(%arg13 : memref<10000xi32, #tpu.memory_space<vmem>>) target(%dma_start3A_310 : memref<10000xi32, #tpu.memory_space<vmem_shared>>) target_semaphore(%arg19 : memref<!tpu.dma_semaphore, #tpu.memory_space<semaphore_mem>>)
    } else {
    }
    %add3A_66 = arith.constant 64 : i32
    %add3A_67 = arith.addi %arg1, %add3A_66 : i32
    %lt3A_68 = arith.constant 100 : i32
    %lt3A_69 = arith.cmpi slt, %add3A_67, %lt3A_68 : i32
    %convert_element_type3A_70 = arith.extui %lt3A_69 : i1 to i32
    %cond3A_71 = arith.constant 0 : i32
    %cond3A_72 = arith.cmpi ne, %convert_element_type3A_70, %cond3A_71 : i32
    scf.if %cond3A_72 {
      %mul3A_299 = arith.constant 10000 : i32
      %mul3A_300 = arith.muli %add3A_67, %mul3A_299 : i32
      %dma_wait3A_301 = arith.constant 0 : i32
      %dma_wait3A_302 = tpu.memref_slice %arg3[%dma_wait3A_301] : memref<1000000xi32, #tpu.memory_space<hbm>> -> memref<10000xi32, #tpu.memory_space<hbm>>
      %dma_wait3A_303 = arith.constant 0 : i32
      %dma_wait3A_304 = tpu.memref_slice %arg3[%dma_wait3A_303] : memref<1000000xi32, #tpu.memory_space<hbm>> -> memref<10000xi32, #tpu.memory_space<hbm>>
      tpu.wait_dma2 semaphore(%arg18 : memref<!tpu.dma_semaphore, #tpu.memory_space<semaphore_mem>>) src(%dma_wait3A_304 : memref<10000xi32, #tpu.memory_space<hbm>>) dst(%arg12 : memref<10000xi32, #tpu.memory_space<vmem>>)
      %dma_start3A_305 = tpu.memref_slice %arg3[%mul3A_300] : memref<1000000xi32, #tpu.memory_space<hbm>> -> memref<10000xi32, #tpu.memory_space<hbm>>
      %dma_start3A_306 = tpu.memref_slice %arg3[%mul3A_300] : memref<1000000xi32, #tpu.memory_space<hbm>> -> memref<10000xi32, #tpu.memory_space<hbm>>
      tpu.enqueue_dma source(%dma_start3A_306 : memref<10000xi32, #tpu.memory_space<hbm>>) target(%arg12 : memref<10000xi32, #tpu.memory_space<vmem>>) target_semaphore(%arg17 : memref<!tpu.dma_semaphore, #tpu.memory_space<semaphore_mem>>)
      %dma_wait3A_307 = tpu.memref_slice %arg3[%mul3A_300] : memref<1000000xi32, #tpu.memory_space<hbm>> -> memref<10000xi32, #tpu.memory_space<hbm>>
      %dma_wait3A_308 = tpu.memref_slice %arg3[%mul3A_300] : memref<1000000xi32, #tpu.memory_space<hbm>> -> memref<10000xi32, #tpu.memory_space<hbm>>
      tpu.wait_dma2 semaphore(%arg17 : memref<!tpu.dma_semaphore, #tpu.memory_space<semaphore_mem>>) src(%dma_wait3A_308 : memref<10000xi32, #tpu.memory_space<hbm>>) dst(%arg12 : memref<10000xi32, #tpu.memory_space<vmem>>)
      %dma_start3A_309 = tpu.memref_slice %arg14[%mul3A_300] : memref<1000000xi32, #tpu.memory_space<vmem_shared>> -> memref<10000xi32, #tpu.memory_space<vmem_shared>>
      %dma_start3A_310 = tpu.memref_slice %arg14[%mul3A_300] : memref<1000000xi32, #tpu.memory_space<vmem_shared>> -> memref<10000xi32, #tpu.memory_space<vmem_shared>>
      tpu.enqueue_dma source(%arg12 : memref<10000xi32, #tpu.memory_space<vmem>>) target(%dma_start3A_310 : memref<10000xi32, #tpu.memory_space<vmem_shared>>) target_semaphore(%arg18 : memref<!tpu.dma_semaphore, #tpu.memory_space<semaphore_mem>>)
    } else {
    }
    %add3A_73 = arith.constant 80 : i32
    %add3A_74 = arith.addi %arg1, %add3A_73 : i32
    %lt3A_75 = arith.constant 100 : i32
    %lt3A_76 = arith.cmpi slt, %add3A_74, %lt3A_75 : i32
    %convert_element_type3A_77 = arith.extui %lt3A_76 : i1 to i32
    %cond3A_78 = arith.constant 0 : i32
    %cond3A_79 = arith.cmpi ne, %convert_element_type3A_77, %cond3A_78 : i32
    scf.if %cond3A_79 {
      %mul3A_299 = arith.constant 10000 : i32
      %mul3A_300 = arith.muli %add3A_74, %mul3A_299 : i32
      %dma_wait3A_301 = arith.constant 0 : i32
      %dma_wait3A_302 = tpu.memref_slice %arg3[%dma_wait3A_301] : memref<1000000xi32, #tpu.memory_space<hbm>> -> memref<10000xi32, #tpu.memory_space<hbm>>
      %dma_wait3A_303 = arith.constant 0 : i32
      %dma_wait3A_304 = tpu.memref_slice %arg3[%dma_wait3A_303] : memref<1000000xi32, #tpu.memory_space<hbm>> -> memref<10000xi32, #tpu.memory_space<hbm>>
      tpu.wait_dma2 semaphore(%arg19 : memref<!tpu.dma_semaphore, #tpu.memory_space<semaphore_mem>>) src(%dma_wait3A_304 : memref<10000xi32, #tpu.memory_space<hbm>>) dst(%arg13 : memref<10000xi32, #tpu.memory_space<vmem>>)
      %dma_start3A_305 = tpu.memref_slice %arg3[%mul3A_300] : memref<1000000xi32, #tpu.memory_space<hbm>> -> memref<10000xi32, #tpu.memory_space<hbm>>
      %dma_start3A_306 = tpu.memref_slice %arg3[%mul3A_300] : memref<1000000xi32, #tpu.memory_space<hbm>> -> memref<10000xi32, #tpu.memory_space<hbm>>
      tpu.enqueue_dma source(%dma_start3A_306 : memref<10000xi32, #tpu.memory_space<hbm>>) target(%arg13 : memref<10000xi32, #tpu.memory_space<vmem>>) target_semaphore(%arg17 : memref<!tpu.dma_semaphore, #tpu.memory_space<semaphore_mem>>)
      %dma_wait3A_307 = tpu.memref_slice %arg3[%mul3A_300] : memref<1000000xi32, #tpu.memory_space<hbm>> -> memref<10000xi32, #tpu.memory_space<hbm>>
      %dma_wait3A_308 = tpu.memref_slice %arg3[%mul3A_300] : memref<1000000xi32, #tpu.memory_space<hbm>> -> memref<10000xi32, #tpu.memory_space<hbm>>
      tpu.wait_dma2 semaphore(%arg17 : memref<!tpu.dma_semaphore, #tpu.memory_space<semaphore_mem>>) src(%dma_wait3A_308 : memref<10000xi32, #tpu.memory_space<hbm>>) dst(%arg13 : memref<10000xi32, #tpu.memory_space<vmem>>)
      %dma_start3A_309 = tpu.memref_slice %arg14[%mul3A_300] : memref<1000000xi32, #tpu.memory_space<vmem_shared>> -> memref<10000xi32, #tpu.memory_space<vmem_shared>>
      %dma_start3A_310 = tpu.memref_slice %arg14[%mul3A_300] : memref<1000000xi32, #tpu.memory_space<vmem_shared>> -> memref<10000xi32, #tpu.memory_space<vmem_shared>>
      tpu.enqueue_dma source(%arg13 : memref<10000xi32, #tpu.memory_space<vmem>>) target(%dma_start3A_310 : memref<10000xi32, #tpu.memory_space<vmem_shared>>) target_semaphore(%arg19 : memref<!tpu.dma_semaphore, #tpu.memory_space<semaphore_mem>>)
    } else {
    }
    %add3A_80 = arith.constant 96 : i32
    %add3A_81 = arith.addi %arg1, %add3A_80 : i32
    %lt3A_82 = arith.constant 100 : i32
    %lt3A_83 = arith.cmpi slt, %add3A_81, %lt3A_82 : i32
    %convert_element_type3A_84 = arith.extui %lt3A_83 : i1 to i32
    %cond3A_85 = arith.constant 0 : i32
    %cond3A_86 = arith.cmpi ne, %convert_element_type3A_84, %cond3A_85 : i32
    scf.if %cond3A_86 {
      %mul3A_299 = arith.constant 10000 : i32
      %mul3A_300 = arith.muli %add3A_81, %mul3A_299 : i32
      %dma_wait3A_301 = arith.constant 0 : i32
      %dma_wait3A_302 = tpu.memref_slice %arg3[%dma_wait3A_301] : memref<1000000xi32, #tpu.memory_space<hbm>> -> memref<10000xi32, #tpu.memory_space<hbm>>
      %dma_wait3A_303 = arith.constant 0 : i32
      %dma_wait3A_304 = tpu.memref_slice %arg3[%dma_wait3A_303] : memref<1000000xi32, #tpu.memory_space<hbm>> -> memref<10000xi32, #tpu.memory_space<hbm>>
      tpu.wait_dma2 semaphore(%arg18 : memref<!tpu.dma_semaphore, #tpu.memory_space<semaphore_mem>>) src(%dma_wait3A_304 : memref<10000xi32, #tpu.memory_space<hbm>>) dst(%arg12 : memref<10000xi32, #tpu.memory_space<vmem>>)
      %dma_start3A_305 = tpu.memref_slice %arg3[%mul3A_300] : memref<1000000xi32, #tpu.memory_space<hbm>> -> memref<10000xi32, #tpu.memory_space<hbm>>
      %dma_start3A_306 = tpu.memref_slice %arg3[%mul3A_300] : memref<1000000xi32, #tpu.memory_space<hbm>> -> memref<10000xi32, #tpu.memory_space<hbm>>
      tpu.enqueue_dma source(%dma_start3A_306 : memref<10000xi32, #tpu.memory_space<hbm>>) target(%arg12 : memref<10000xi32, #tpu.memory_space<vmem>>) target_semaphore(%arg17 : memref<!tpu.dma_semaphore, #tpu.memory_space<semaphore_mem>>)
      %dma_wait3A_307 = tpu.memref_slice %arg3[%mul3A_300] : memref<1000000xi32, #tpu.memory_space<hbm>> -> memref<10000xi32, #tpu.memory_space<hbm>>
      %dma_wait3A_308 = tpu.memref_slice %arg3[%mul3A_300] : memref<1000000xi32, #tpu.memory_space<hbm>> -> memref<10000xi32, #tpu.memory_space<hbm>>
      tpu.wait_dma2 semaphore(%arg17 : memref<!tpu.dma_semaphore, #tpu.memory_space<semaphore_mem>>) src(%dma_wait3A_308 : memref<10000xi32, #tpu.memory_space<hbm>>) dst(%arg12 : memref<10000xi32, #tpu.memory_space<vmem>>)
      %dma_start3A_309 = tpu.memref_slice %arg14[%mul3A_300] : memref<1000000xi32, #tpu.memory_space<vmem_shared>> -> memref<10000xi32, #tpu.memory_space<vmem_shared>>
      %dma_start3A_310 = tpu.memref_slice %arg14[%mul3A_300] : memref<1000000xi32, #tpu.memory_space<vmem_shared>> -> memref<10000xi32, #tpu.memory_space<vmem_shared>>
      tpu.enqueue_dma source(%arg12 : memref<10000xi32, #tpu.memory_space<vmem>>) target(%dma_start3A_310 : memref<10000xi32, #tpu.memory_space<vmem_shared>>) target_semaphore(%arg18 : memref<!tpu.dma_semaphore, #tpu.memory_space<semaphore_mem>>)
    } else {
    }
    %dma_wait3A = arith.constant 0 : i32
    %dma_wait3A_87 = tpu.memref_slice %arg3[%dma_wait3A] : memref<1000000xi32, #tpu.memory_space<hbm>> -> memref<10000xi32, #tpu.memory_space<hbm>>
    %dma_wait3A_88 = arith.constant 0 : i32
    %dma_wait3A_89 = tpu.memref_slice %arg3[%dma_wait3A_88] : memref<1000000xi32, #tpu.memory_space<hbm>> -> memref<10000xi32, #tpu.memory_space<hbm>>
    tpu.wait_dma2 semaphore(%arg18 : memref<!tpu.dma_semaphore, #tpu.memory_space<semaphore_mem>>) src(%dma_wait3A_89 : memref<10000xi32, #tpu.memory_space<hbm>>) dst(%arg12 : memref<10000xi32, #tpu.memory_space<vmem>>)
    %dma_wait3A_90 = arith.constant 0 : i32
    %dma_wait3A_91 = tpu.memref_slice %arg3[%dma_wait3A_90] : memref<1000000xi32, #tpu.memory_space<hbm>> -> memref<10000xi32, #tpu.memory_space<hbm>>
    %dma_wait3A_92 = arith.constant 0 : i32
    %dma_wait3A_93 = tpu.memref_slice %arg3[%dma_wait3A_92] : memref<1000000xi32, #tpu.memory_space<hbm>> -> memref<10000xi32, #tpu.memory_space<hbm>>
    tpu.wait_dma2 semaphore(%arg19 : memref<!tpu.dma_semaphore, #tpu.memory_space<semaphore_mem>>) src(%dma_wait3A_93 : memref<10000xi32, #tpu.memory_space<hbm>>) dst(%arg13 : memref<10000xi32, #tpu.memory_space<vmem>>)
    %dma_wait3A_94 = tpu.memref_slice %arg2[%mul3A_22, %mul3A_38] : memref<200x16384xi32, #tpu.memory_space<hbm>> -> memref<40x128xi32, #tpu.memory_space<hbm>>
    %dma_wait3A_95 = tpu.memref_slice %arg2[%mul3A_22, %mul3A_38] : memref<200x16384xi32, #tpu.memory_space<hbm>> -> memref<40x128xi32, #tpu.memory_space<hbm>>
    tpu.wait_dma2 semaphore(%arg17 : memref<!tpu.dma_semaphore, #tpu.memory_space<semaphore_mem>>) src(%dma_wait3A_95 : memref<40x128xi32, #tpu.memory_space<hbm>>) dst(%arg5 : memref<40x128xi32, #tpu.memory_space<vmem>>)
    %parallel_loop3A = arith.constant 0 : i32
    %parallel_loop3A_96 = arith.constant 5120 : i32
    %parallel_loop3A_97 = arith.constant 16 : i32
    scf.for %parallel_loop3A_299 = %parallel_loop3A to %parallel_loop3A_96 step %parallel_loop3A_97  : i32 {
      %parallel_loop3A_300 = arith.constant 128 : i32
      %parallel_loop3A_301 = arith.divsi %parallel_loop3A_299, %parallel_loop3A_300 : i32
      %parallel_loop3A_302 = arith.constant 0 : i32
      %parallel_loop3A_303 = arith.cmpi sgt, %parallel_loop3A_299, %parallel_loop3A_302 : i32
      %parallel_loop3A_304 = arith.extui %parallel_loop3A_303 : i1 to i32
      %parallel_loop3A_305 = arith.constant 0 : i32
      %parallel_loop3A_306 = arith.cmpi slt, %parallel_loop3A_299, %parallel_loop3A_305 : i32
      %parallel_loop3A_307 = arith.extui %parallel_loop3A_306 : i1 to i32
      %parallel_loop3A_308 = arith.subi %parallel_loop3A_304, %parallel_loop3A_307 : i32
      %parallel_loop3A_309 = arith.constant 0 : i32
      %parallel_loop3A_310 = arith.cmpi sgt, %parallel_loop3A_300, %parallel_loop3A_309 : i32
      %parallel_loop3A_311 = arith.extui %parallel_loop3A_310 : i1 to i32
      %parallel_loop3A_312 = arith.constant 0 : i32
      %parallel_loop3A_313 = arith.cmpi slt, %parallel_loop3A_300, %parallel_loop3A_312 : i32
      %parallel_loop3A_314 = arith.extui %parallel_loop3A_313 : i1 to i32
      %parallel_loop3A_315 = arith.subi %parallel_loop3A_311, %parallel_loop3A_314 : i32
      %parallel_loop3A_316 = arith.cmpi ne, %parallel_loop3A_308, %parallel_loop3A_315 : i32
      %parallel_loop3A_317 = arith.remsi %parallel_loop3A_299, %parallel_loop3A_300 : i32
      %parallel_loop3A_318 = arith.constant 0 : i32
      %parallel_loop3A_319 = arith.cmpi ne, %parallel_loop3A_317, %parallel_loop3A_318 : i32
      %parallel_loop3A_320 = arith.andi %parallel_loop3A_316, %parallel_loop3A_319 : i1
      %parallel_loop3A_321 = arith.constant 1 : i32
      %parallel_loop3A_322 = arith.subi %parallel_loop3A_301, %parallel_loop3A_321 : i32
      %parallel_loop3A_323 = arith.select %parallel_loop3A_320, %parallel_loop3A_322, %parallel_loop3A_301 : i32
      %parallel_loop3A_324 = arith.constant 128 : i32
      %parallel_loop3A_325 = arith.constant 0 : i32
      %parallel_loop3A_326 = arith.cmpi eq, %parallel_loop3A_324, %parallel_loop3A_325 : i32
      %parallel_loop3A_327 = arith.constant 1 : i32
      %parallel_loop3A_328 = arith.select %parallel_loop3A_326, %parallel_loop3A_327, %parallel_loop3A_324 : i32
      %parallel_loop3A_329 = arith.remsi %parallel_loop3A_299, %parallel_loop3A_328 : i32
      %parallel_loop3A_330 = arith.constant 0 : i32
      %parallel_loop3A_331 = arith.cmpi ne, %parallel_loop3A_329, %parallel_loop3A_330 : i32
      %parallel_loop3A_332 = arith.constant 0 : i32
      %parallel_loop3A_333 = arith.cmpi slt, %parallel_loop3A_329, %parallel_loop3A_332 : i32
      %parallel_loop3A_334 = arith.constant 0 : i32
      %parallel_loop3A_335 = arith.cmpi slt, %parallel_loop3A_328, %parallel_loop3A_334 : i32
      %parallel_loop3A_336 = arith.xori %parallel_loop3A_333, %parallel_loop3A_335 : i1
      %parallel_loop3A_337 = arith.andi %parallel_loop3A_336, %parallel_loop3A_331 : i1
      %parallel_loop3A_338 = arith.addi %parallel_loop3A_329, %parallel_loop3A_328 : i32
      %parallel_loop3A_339 = arith.select %parallel_loop3A_337, %parallel_loop3A_338, %parallel_loop3A_329 : i32
      %parallel_loop3A_340 = arith.index_cast %parallel_loop3A_323 : i32 to index
      %parallel_loop3A_341 = arith.index_cast %parallel_loop3A_339 : i32 to index
      %parallel_loop3A_342 = tpu.vector_load %arg5[%parallel_loop3A_340, %parallel_loop3A_341] {strides = array<i32>} : memref<40x128xi32, #tpu.memory_space<vmem>>, vector<1x16xi32>,
      %parallel_loop3A_343 = vector.shape_cast %parallel_loop3A_342 : vector<1x16xi32> to vector<16xi32>
      %parallel_loop3A_344 = arith.constant 0 : i32
      %parallel_loop3A_345 = vector.broadcast %parallel_loop3A_344 : i32 to vector<16xi32>
      %parallel_loop3A_346 = arith.maxsi %parallel_loop3A_343, %parallel_loop3A_345 : vector<16xi32>
      %parallel_loop3A_347 = arith.constant 999999 : i32
      %parallel_loop3A_348 = vector.broadcast %parallel_loop3A_347 : i32 to vector<16xi32>
      %parallel_loop3A_349 = arith.minsi %parallel_loop3A_346, %parallel_loop3A_348 : vector<16xi32>
      %parallel_loop3A_350 = arith.index_cast %parallel_loop3A_299 : i32 to index
      %parallel_loop3A_351 = tpu.vector_load %arg8[%parallel_loop3A_350] {strides = array<i32>} : memref<5120xi32, #tpu.memory_space<vmem>>, vector<16xi32>,
      %parallel_loop3A_352 = vector.shape_cast %parallel_loop3A_351 : vector<16xi32> to vector<16xi32>
      %parallel_loop3A_353 = vector.shape_cast %parallel_loop3A_349 : vector<16xi32> to vector<16xi32>
      tpu.vector_store %arg8[%parallel_loop3A_350], %parallel_loop3A_353 {strides = array<i32>} : memref<5120xi32, #tpu.memory_space<vmem>>, vector<16xi32>,
    } {sc.loop_unroll_factor = 4 : i64, sc.parallel_access}
    %barrier3A = arith.constant 0 : index
    tpu.barrier barrier_id(%barrier3A)
    %dma_start3A_98 = arith.constant 0 : i32
    %dma_start3A_99 = tpu.memref_slice %arg14[%dma_start3A_98] : memref<1000000xi32, #tpu.memory_space<vmem_shared>> -> memref<1000000xi32, #tpu.memory_space<vmem_shared>>
    tpu.enqueue_indirect_dma source(%dma_start3A_99 : memref<1000000xi32, #tpu.memory_space<vmem_shared>>) target(%arg10 : memref<5120xi32, #tpu.memory_space<vmem>>) offsets(%arg8 : memref<5120xi32, #tpu.memory_space<vmem>>) semaphore(%arg15 : memref<!tpu.dma_semaphore, #tpu.memory_space<semaphore_mem>>)
    %mul3A_100 = arith.constant 20 : i32
    %mul3A_101 = arith.muli %add3A, %mul3A_100 : i32
    %add3A_102 = arith.constant 1 : i32
    %add3A_103 = arith.addi %mul3A_101, %add3A_102 : i32
    %jit3A_104 = arith.constant 128 : i32
    %div3A_105 = arith.divsi %add3A_103, %jit3A_104 : i32
    %sign3A_106 = arith.constant 0 : i32
    %sign3A_107 = arith.cmpi sgt, %add3A_103, %sign3A_106 : i32
    %sign3A_108 = arith.extui %sign3A_107 : i1 to i32
    %sign3A_109 = arith.constant 0 : i32
    %sign3A_110 = arith.cmpi slt, %add3A_103, %sign3A_109 : i32
    %sign3A_111 = arith.extui %sign3A_110 : i1 to i32
    %sign3A_112 = arith.subi %sign3A_108, %sign3A_111 : i32
    %sign3A_113 = arith.constant 0 : i32
    %sign3A_114 = arith.cmpi sgt, %jit3A_104, %sign3A_113 : i32
    %sign3A_115 = arith.extui %sign3A_114 : i1 to i32
    %sign3A_116 = arith.constant 0 : i32
    %sign3A_117 = arith.cmpi slt, %jit3A_104, %sign3A_116 : i32
    %sign3A_118 = arith.extui %sign3A_117 : i1 to i32
    %sign3A_119 = arith.subi %sign3A_115, %sign3A_118 : i32
    %ne3A_120 = arith.cmpi ne, %sign3A_112, %sign3A_119 : i32
    %rem3A_121 = arith.remsi %add3A_103, %jit3A_104 : i32
    %ne3A_122 = arith.constant 0 : i32
    %ne3A_123 = arith.cmpi ne, %rem3A_121, %ne3A_122 : i32
    %and3A_124 = arith.andi %ne3A_120, %ne3A_123 : i1
    %sub3A_125 = arith.constant 1 : i32
    %sub3A_126 = arith.subi %div3A_105, %sub3A_125 : i32
    %select_n3A_127 = arith.select %and3A_124, %sub3A_126, %div3A_105 : i32
    %mul3A_128 = arith.constant 40 : i32
    %mul3A_129 = arith.muli %select_n3A_127, %mul3A_128 : i32
    %jit3A_130 = arith.constant 128 : i32
    %eq3A_131 = arith.constant 0 : i32
    %eq3A_132 = arith.cmpi eq, %jit3A_130, %eq3A_131 : i32
    %jit3A_133 = arith.constant 1 : i32
    %select_n3A_134 = arith.select %eq3A_132, %jit3A_133, %jit3A_130 : i32
    %rem3A_135 = arith.remsi %add3A_103, %select_n3A_134 : i32
    %ne3A_136 = arith.constant 0 : i32
    %ne3A_137 = arith.cmpi ne, %rem3A_135, %ne3A_136 : i32
    %lt3A_138 = arith.constant 0 : i32
    %lt3A_139 = arith.cmpi slt, %rem3A_135, %lt3A_138 : i32
    %lt3A_140 = arith.constant 0 : i32
    %lt3A_141 = arith.cmpi slt, %select_n3A_134, %lt3A_140 : i32
    %ne3A_142 = arith.xori %lt3A_139, %lt3A_141 : i1
    %and3A_143 = arith.andi %ne3A_142, %ne3A_137 : i1
    %add3A_144 = arith.addi %rem3A_135, %select_n3A_134 : i32
    %select_n3A_145 = arith.select %and3A_143, %add3A_144, %rem3A_135 : i32
    %mul3A_146 = arith.constant 128 : i32
    %mul3A_147 = arith.muli %select_n3A_145, %mul3A_146 : i32
    %dma_start3A_148 = tpu.memref_slice %arg2[%mul3A_129, %mul3A_147] : memref<200x16384xi32, #tpu.memory_space<hbm>> -> memref<40x128xi32, #tpu.memory_space<hbm>>
    %dma_start3A_149 = tpu.memref_slice %arg2[%mul3A_129, %mul3A_147] : memref<200x16384xi32, #tpu.memory_space<hbm>> -> memref<40x128xi32, #tpu.memory_space<hbm>>
    tpu.enqueue_dma source(%dma_start3A_149 : memref<40x128xi32, #tpu.memory_space<hbm>>) target(%arg5 : memref<40x128xi32, #tpu.memory_space<vmem>>) target_semaphore(%arg17 : memref<!tpu.dma_semaphore, #tpu.memory_space<semaphore_mem>>)
    %dma_wait3A_150 = tpu.memref_slice %arg2[%mul3A_129, %mul3A_147] : memref<200x16384xi32, #tpu.memory_space<hbm>> -> memref<40x128xi32, #tpu.memory_space<hbm>>
    %dma_wait3A_151 = tpu.memref_slice %arg2[%mul3A_129, %mul3A_147] : memref<200x16384xi32, #tpu.memory_space<hbm>> -> memref<40x128xi32, #tpu.memory_space<hbm>>
    tpu.wait_dma2 semaphore(%arg17 : memref<!tpu.dma_semaphore, #tpu.memory_space<semaphore_mem>>) src(%dma_wait3A_151 : memref<40x128xi32, #tpu.memory_space<hbm>>) dst(%arg5 : memref<40x128xi32, #tpu.memory_space<vmem>>)
    %parallel_loop3A_152 = arith.constant 0 : i32
    %parallel_loop3A_153 = arith.constant 5120 : i32
    %parallel_loop3A_154 = arith.constant 16 : i32
    scf.for %parallel_loop3A_299 = %parallel_loop3A_152 to %parallel_loop3A_153 step %parallel_loop3A_154  : i32 {
      %parallel_loop3A_300 = arith.constant 128 : i32
      %parallel_loop3A_301 = arith.divsi %parallel_loop3A_299, %parallel_loop3A_300 : i32
      %parallel_loop3A_302 = arith.constant 0 : i32
      %parallel_loop3A_303 = arith.cmpi sgt, %parallel_loop3A_299, %parallel_loop3A_302 : i32
      %parallel_loop3A_304 = arith.extui %parallel_loop3A_303 : i1 to i32
      %parallel_loop3A_305 = arith.constant 0 : i32
      %parallel_loop3A_306 = arith.cmpi slt, %parallel_loop3A_299, %parallel_loop3A_305 : i32
      %parallel_loop3A_307 = arith.extui %parallel_loop3A_306 : i1 to i32
      %parallel_loop3A_308 = arith.subi %parallel_loop3A_304, %parallel_loop3A_307 : i32
      %parallel_loop3A_309 = arith.constant 0 : i32
      %parallel_loop3A_310 = arith.cmpi sgt, %parallel_loop3A_300, %parallel_loop3A_309 : i32
      %parallel_loop3A_311 = arith.extui %parallel_loop3A_310 : i1 to i32
      %parallel_loop3A_312 = arith.constant 0 : i32
      %parallel_loop3A_313 = arith.cmpi slt, %parallel_loop3A_300, %parallel_loop3A_312 : i32
      %parallel_loop3A_314 = arith.extui %parallel_loop3A_313 : i1 to i32
      %parallel_loop3A_315 = arith.subi %parallel_loop3A_311, %parallel_loop3A_314 : i32
      %parallel_loop3A_316 = arith.cmpi ne, %parallel_loop3A_308, %parallel_loop3A_315 : i32
      %parallel_loop3A_317 = arith.remsi %parallel_loop3A_299, %parallel_loop3A_300 : i32
      %parallel_loop3A_318 = arith.constant 0 : i32
      %parallel_loop3A_319 = arith.cmpi ne, %parallel_loop3A_317, %parallel_loop3A_318 : i32
      %parallel_loop3A_320 = arith.andi %parallel_loop3A_316, %parallel_loop3A_319 : i1
      %parallel_loop3A_321 = arith.constant 1 : i32
      %parallel_loop3A_322 = arith.subi %parallel_loop3A_301, %parallel_loop3A_321 : i32
      %parallel_loop3A_323 = arith.select %parallel_loop3A_320, %parallel_loop3A_322, %parallel_loop3A_301 : i32
      %parallel_loop3A_324 = arith.constant 128 : i32
      %parallel_loop3A_325 = arith.constant 0 : i32
      %parallel_loop3A_326 = arith.cmpi eq, %parallel_loop3A_324, %parallel_loop3A_325 : i32
      %parallel_loop3A_327 = arith.constant 1 : i32
      %parallel_loop3A_328 = arith.select %parallel_loop3A_326, %parallel_loop3A_327, %parallel_loop3A_324 : i32
      %parallel_loop3A_329 = arith.remsi %parallel_loop3A_299, %parallel_loop3A_328 : i32
      %parallel_loop3A_330 = arith.constant 0 : i32
      %parallel_loop3A_331 = arith.cmpi ne, %parallel_loop3A_329, %parallel_loop3A_330 : i32
      %parallel_loop3A_332 = arith.constant 0 : i32
      %parallel_loop3A_333 = arith.cmpi slt, %parallel_loop3A_329, %parallel_loop3A_332 : i32
      %parallel_loop3A_334 = arith.constant 0 : i32
      %parallel_loop3A_335 = arith.cmpi slt, %parallel_loop3A_328, %parallel_loop3A_334 : i32
      %parallel_loop3A_336 = arith.xori %parallel_loop3A_333, %parallel_loop3A_335 : i1
      %parallel_loop3A_337 = arith.andi %parallel_loop3A_336, %parallel_loop3A_331 : i1
      %parallel_loop3A_338 = arith.addi %parallel_loop3A_329, %parallel_loop3A_328 : i32
      %parallel_loop3A_339 = arith.select %parallel_loop3A_337, %parallel_loop3A_338, %parallel_loop3A_329 : i32
      %parallel_loop3A_340 = arith.index_cast %parallel_loop3A_323 : i32 to index
      %parallel_loop3A_341 = arith.index_cast %parallel_loop3A_339 : i32 to index
      %parallel_loop3A_342 = tpu.vector_load %arg5[%parallel_loop3A_340, %parallel_loop3A_341] {strides = array<i32>} : memref<40x128xi32, #tpu.memory_space<vmem>>, vector<1x16xi32>,
      %parallel_loop3A_343 = vector.shape_cast %parallel_loop3A_342 : vector<1x16xi32> to vector<16xi32>
      %parallel_loop3A_344 = arith.constant 0 : i32
      %parallel_loop3A_345 = vector.broadcast %parallel_loop3A_344 : i32 to vector<16xi32>
      %parallel_loop3A_346 = arith.maxsi %parallel_loop3A_343, %parallel_loop3A_345 : vector<16xi32>
      %parallel_loop3A_347 = arith.constant 999999 : i32
      %parallel_loop3A_348 = vector.broadcast %parallel_loop3A_347 : i32 to vector<16xi32>
      %parallel_loop3A_349 = arith.minsi %parallel_loop3A_346, %parallel_loop3A_348 : vector<16xi32>
      %parallel_loop3A_350 = arith.index_cast %parallel_loop3A_299 : i32 to index
      %parallel_loop3A_351 = tpu.vector_load %arg9[%parallel_loop3A_350] {strides = array<i32>} : memref<5120xi32, #tpu.memory_space<vmem>>, vector<16xi32>,
      %parallel_loop3A_352 = vector.shape_cast %parallel_loop3A_351 : vector<16xi32> to vector<16xi32>
      %parallel_loop3A_353 = vector.shape_cast %parallel_loop3A_349 : vector<16xi32> to vector<16xi32>
      tpu.vector_store %arg9[%parallel_loop3A_350], %parallel_loop3A_353 {strides = array<i32>} : memref<5120xi32, #tpu.memory_space<vmem>>, vector<16xi32>,
    } {sc.loop_unroll_factor = 4 : i64, sc.parallel_access}
    %scan3A = arith.constant 0 : i32
    %scan3A_155 = arith.constant 9 : i32
    %scan3A_156 = arith.addi %scan3A, %scan3A_155 : i32
    %scan3A_157 = arith.constant 1 : i32
    scf.for %scan3A_299 = %scan3A to %scan3A_156 step %scan3A_157  : i32 {
      %mul3A_300 = arith.constant 2 : i32
      %mul3A_301 = arith.muli %scan3A_299, %mul3A_300 : i32
      %add3A_302 = arith.constant 1 : i32
      %add3A_303 = arith.addi %add3A_302, %mul3A_301 : i32
      %dma_start3A_304 = arith.constant 0 : i32
      %dma_start3A_305 = tpu.memref_slice %arg14[%dma_start3A_304] : memref<1000000xi32, #tpu.memory_space<vmem_shared>> -> memref<1000000xi32, #tpu.memory_space<vmem_shared>>
      tpu.enqueue_indirect_dma source(%dma_start3A_305 : memref<1000000xi32, #tpu.memory_space<vmem_shared>>) target(%arg11 : memref<5120xi32, #tpu.memory_space<vmem>>) offsets(%arg9 : memref<5120xi32, #tpu.memory_space<vmem>>) semaphore(%arg16 : memref<!tpu.dma_semaphore, #tpu.memory_space<semaphore_mem>>)
      %add3A_306 = arith.constant 1 : i32
      %add3A_307 = arith.addi %add3A_303, %add3A_306 : i32
      %lt3A_308 = arith.constant 20 : i32
      %lt3A_309 = arith.cmpi slt, %add3A_307, %lt3A_308 : i32
      %convert_element_type3A_310 = arith.extui %lt3A_309 : i1 to i32
      %cond3A_311 = arith.constant 0 : i32
      %cond3A_312 = arith.cmpi ne, %convert_element_type3A_310, %cond3A_311 : i32
      scf.if %cond3A_312 {
        %add3A_463 = arith.constant 1 : i32
        %add3A_464 = arith.addi %add3A_303, %add3A_463 : i32
        %mul3A_465 = arith.constant 20 : i32
        %mul3A_466 = arith.muli %add3A, %mul3A_465 : i32
        %add3A_467 = arith.addi %mul3A_466, %add3A_464 : i32
        %jit3A_468 = arith.constant 128 : i32
        %div3A_469 = arith.divsi %add3A_467, %jit3A_468 : i32
        %sign3A_470 = arith.constant 0 : i32
        %sign3A_471 = arith.cmpi sgt, %add3A_467, %sign3A_470 : i32
        %sign3A_472 = arith.extui %sign3A_471 : i1 to i32
        %sign3A_473 = arith.constant 0 : i32
        %sign3A_474 = arith.cmpi slt, %add3A_467, %sign3A_473 : i32
        %sign3A_475 = arith.extui %sign3A_474 : i1 to i32
        %sign3A_476 = arith.subi %sign3A_472, %sign3A_475 : i32
        %sign3A_477 = arith.constant 0 : i32
        %sign3A_478 = arith.cmpi sgt, %jit3A_468, %sign3A_477 : i32
        %sign3A_479 = arith.extui %sign3A_478 : i1 to i32
        %sign3A_480 = arith.constant 0 : i32
        %sign3A_481 = arith.cmpi slt, %jit3A_468, %sign3A_480 : i32
        %sign3A_482 = arith.extui %sign3A_481 : i1 to i32
        %sign3A_483 = arith.subi %sign3A_479, %sign3A_482 : i32
        %ne3A_484 = arith.cmpi ne, %sign3A_476, %sign3A_483 : i32
        %rem3A_485 = arith.remsi %add3A_467, %jit3A_468 : i32
        %ne3A_486 = arith.constant 0 : i32
        %ne3A_487 = arith.cmpi ne, %rem3A_485, %ne3A_486 : i32
        %and3A_488 = arith.andi %ne3A_484, %ne3A_487 : i1
        %sub3A_489 = arith.constant 1 : i32
        %sub3A_490 = arith.subi %div3A_469, %sub3A_489 : i32
        %select_n3A_491 = arith.select %and3A_488, %sub3A_490, %div3A_469 : i32
        %mul3A_492 = arith.constant 40 : i32
        %mul3A_493 = arith.muli %select_n3A_491, %mul3A_492 : i32
        %jit3A_494 = arith.constant 128 : i32
        %eq3A_495 = arith.constant 0 : i32
        %eq3A_496 = arith.cmpi eq, %jit3A_494, %eq3A_495 : i32
        %jit3A_497 = arith.constant 1 : i32
        %select_n3A_498 = arith.select %eq3A_496, %jit3A_497, %jit3A_494 : i32
        %rem3A_499 = arith.remsi %add3A_467, %select_n3A_498 : i32
        %ne3A_500 = arith.constant 0 : i32
        %ne3A_501 = arith.cmpi ne, %rem3A_499, %ne3A_500 : i32
        %lt3A_502 = arith.constant 0 : i32
        %lt3A_503 = arith.cmpi slt, %rem3A_499, %lt3A_502 : i32
        %lt3A_504 = arith.constant 0 : i32
        %lt3A_505 = arith.cmpi slt, %select_n3A_498, %lt3A_504 : i32
        %ne3A_506 = arith.xori %lt3A_503, %lt3A_505 : i1
        %and3A_507 = arith.andi %ne3A_506, %ne3A_501 : i1
        %add3A_508 = arith.addi %rem3A_499, %select_n3A_498 : i32
        %select_n3A_509 = arith.select %and3A_507, %add3A_508, %rem3A_499 : i32
        %mul3A_510 = arith.constant 128 : i32
        %mul3A_511 = arith.muli %select_n3A_509, %mul3A_510 : i32
        %dma_start3A_512 = tpu.memref_slice %arg2[%mul3A_493, %mul3A_511] : memref<200x16384xi32, #tpu.memory_space<hbm>> -> memref<40x128xi32, #tpu.memory_space<hbm>>
        %dma_start3A_513 = tpu.memref_slice %arg2[%mul3A_493, %mul3A_511] : memref<200x16384xi32, #tpu.memory_space<hbm>> -> memref<40x128xi32, #tpu.memory_space<hbm>>
        tpu.enqueue_dma source(%dma_start3A_513 : memref<40x128xi32, #tpu.memory_space<hbm>>) target(%arg5 : memref<40x128xi32, #tpu.memory_space<vmem>>) target_semaphore(%arg17 : memref<!tpu.dma_semaphore, #tpu.memory_space<semaphore_mem>>)
      } else {
      }
      %dma_wait3A_313 = arith.constant 0 : i32
      %dma_wait3A_314 = tpu.memref_slice %arg3[%dma_wait3A_313] : memref<1000000xi32, #tpu.memory_space<hbm>> -> memref<5120xi32, #tpu.memory_space<hbm>>
      %dma_wait3A_315 = arith.constant 0 : i32
      %dma_wait3A_316 = tpu.memref_slice %arg3[%dma_wait3A_315] : memref<1000000xi32, #tpu.memory_space<hbm>> -> memref<5120xi32, #tpu.memory_space<hbm>>
      tpu.wait_dma2 semaphore(%arg15 : memref<!tpu.dma_semaphore, #tpu.memory_space<semaphore_mem>>) src(%dma_wait3A_316 : memref<5120xi32, #tpu.memory_space<hbm>>) dst(%arg10 : memref<5120xi32, #tpu.memory_space<vmem>>)
      %ge3A = arith.constant 3 : i32
      %ge3A_317 = arith.cmpi sge, %add3A_303, %ge3A : i32
      %convert_element_type3A_318 = arith.extui %ge3A_317 : i1 to i32
      %cond3A_319 = arith.constant 0 : i32
      %cond3A_320 = arith.cmpi ne, %convert_element_type3A_318, %cond3A_319 : i32
      scf.if %cond3A_320 {
        %dma_wait3A_463 = arith.constant 0 : i32
        %dma_wait3A_464 = arith.constant 0 : i32
        %dma_wait3A_465 = tpu.memref_slice %arg2[%dma_wait3A_463, %dma_wait3A_464] : memref<200x16384xi32, #tpu.memory_space<hbm>> -> memref<40x128xi32, #tpu.memory_space<hbm>>
        %dma_wait3A_466 = arith.constant 0 : i32
        %dma_wait3A_467 = arith.constant 0 : i32
        %dma_wait3A_468 = tpu.memref_slice %arg2[%dma_wait3A_466, %dma_wait3A_467] : memref<200x16384xi32, #tpu.memory_space<hbm>> -> memref<40x128xi32, #tpu.memory_space<hbm>>
        tpu.wait_dma2 semaphore(%arg18 : memref<!tpu.dma_semaphore, #tpu.memory_space<semaphore_mem>>) src(%dma_wait3A_468 : memref<40x128xi32, #tpu.memory_space<hbm>>) dst(%arg6 : memref<40x128xi32, #tpu.memory_space<vmem>>)
      } else {
      }
      %parallel_loop3A_321 = arith.constant 0 : i32
      %parallel_loop3A_322 = arith.constant 5120 : i32
      %parallel_loop3A_323 = arith.constant 16 : i32
      scf.for %parallel_loop3A_463 = %parallel_loop3A_321 to %parallel_loop3A_322 step %parallel_loop3A_323  : i32 {
        %parallel_loop3A_464 = arith.index_cast %parallel_loop3A_463 : i32 to index
        %parallel_loop3A_465 = tpu.vector_load %arg10[%parallel_loop3A_464] {strides = array<i32>} : memref<5120xi32, #tpu.memory_space<vmem>>, vector<16xi32>,
        %parallel_loop3A_466 = vector.shape_cast %parallel_loop3A_465 : vector<16xi32> to vector<16xi32>
        %parallel_loop3A_467 = arith.constant 128 : i32
        %parallel_loop3A_468 = arith.divsi %parallel_loop3A_463, %parallel_loop3A_467 : i32
        %parallel_loop3A_469 = arith.constant 0 : i32
        %parallel_loop3A_470 = arith.cmpi sgt, %parallel_loop3A_463, %parallel_loop3A_469 : i32
        %parallel_loop3A_471 = arith.extui %parallel_loop3A_470 : i1 to i32
        %parallel_loop3A_472 = arith.constant 0 : i32
        %parallel_loop3A_473 = arith.cmpi slt, %parallel_loop3A_463, %parallel_loop3A_472 : i32
        %parallel_loop3A_474 = arith.extui %parallel_loop3A_473 : i1 to i32
        %parallel_loop3A_475 = arith.subi %parallel_loop3A_471, %parallel_loop3A_474 : i32
        %parallel_loop3A_476 = arith.constant 0 : i32
        %parallel_loop3A_477 = arith.cmpi sgt, %parallel_loop3A_467, %parallel_loop3A_476 : i32
        %parallel_loop3A_478 = arith.extui %parallel_loop3A_477 : i1 to i32
        %parallel_loop3A_479 = arith.constant 0 : i32
        %parallel_loop3A_480 = arith.cmpi slt, %parallel_loop3A_467, %parallel_loop3A_479 : i32
        %parallel_loop3A_481 = arith.extui %parallel_loop3A_480 : i1 to i32
        %parallel_loop3A_482 = arith.subi %parallel_loop3A_478, %parallel_loop3A_481 : i32
        %parallel_loop3A_483 = arith.cmpi ne, %parallel_loop3A_475, %parallel_loop3A_482 : i32
        %parallel_loop3A_484 = arith.remsi %parallel_loop3A_463, %parallel_loop3A_467 : i32
        %parallel_loop3A_485 = arith.constant 0 : i32
        %parallel_loop3A_486 = arith.cmpi ne, %parallel_loop3A_484, %parallel_loop3A_485 : i32
        %parallel_loop3A_487 = arith.andi %parallel_loop3A_483, %parallel_loop3A_486 : i1
        %parallel_loop3A_488 = arith.constant 1 : i32
        %parallel_loop3A_489 = arith.subi %parallel_loop3A_468, %parallel_loop3A_488 : i32
        %parallel_loop3A_490 = arith.select %parallel_loop3A_487, %parallel_loop3A_489, %parallel_loop3A_468 : i32
        %parallel_loop3A_491 = arith.constant 128 : i32
        %parallel_loop3A_492 = arith.constant 0 : i32
        %parallel_loop3A_493 = arith.cmpi eq, %parallel_loop3A_491, %parallel_loop3A_492 : i32
        %parallel_loop3A_494 = arith.constant 1 : i32
        %parallel_loop3A_495 = arith.select %parallel_loop3A_493, %parallel_loop3A_494, %parallel_loop3A_491 : i32
        %parallel_loop3A_496 = arith.remsi %parallel_loop3A_463, %parallel_loop3A_495 : i32
        %parallel_loop3A_497 = arith.constant 0 : i32
        %parallel_loop3A_498 = arith.cmpi ne, %parallel_loop3A_496, %parallel_loop3A_497 : i32
        %parallel_loop3A_499 = arith.constant 0 : i32
        %parallel_loop3A_500 = arith.cmpi slt, %parallel_loop3A_496, %parallel_loop3A_499 : i32
        %parallel_loop3A_501 = arith.constant 0 : i32
        %parallel_loop3A_502 = arith.cmpi slt, %parallel_loop3A_495, %parallel_loop3A_501 : i32
        %parallel_loop3A_503 = arith.xori %parallel_loop3A_500, %parallel_loop3A_502 : i1
        %parallel_loop3A_504 = arith.andi %parallel_loop3A_503, %parallel_loop3A_498 : i1
        %parallel_loop3A_505 = arith.addi %parallel_loop3A_496, %parallel_loop3A_495 : i32
        %parallel_loop3A_506 = arith.select %parallel_loop3A_504, %parallel_loop3A_505, %parallel_loop3A_496 : i32
        %parallel_loop3A_507 = arith.index_cast %parallel_loop3A_490 : i32 to index
        %parallel_loop3A_508 = arith.index_cast %parallel_loop3A_506 : i32 to index
        %parallel_loop3A_509 = tpu.vector_load %arg6[%parallel_loop3A_507, %parallel_loop3A_508] {strides = array<i32>} : memref<40x128xi32, #tpu.memory_space<vmem>>, vector<1x16xi32>,
        %parallel_loop3A_510 = vector.shape_cast %parallel_loop3A_509 : vector<1x16xi32> to vector<16xi32>
        %parallel_loop3A_511 = vector.shape_cast %parallel_loop3A_466 : vector<16xi32> to vector<1x16xi32>
        tpu.vector_store %arg6[%parallel_loop3A_507, %parallel_loop3A_508], %parallel_loop3A_511 {strides = array<i32>} : memref<40x128xi32, #tpu.memory_space<vmem>>, vector<1x16xi32>,
      } {sc.loop_unroll_factor = 4 : i64, sc.parallel_access}
      %sub3A_324 = arith.constant 1 : i32
      %sub3A_325 = arith.subi %add3A_303, %sub3A_324 : i32
      %mul3A_326 = arith.constant 20 : i32
      %mul3A_327 = arith.muli %add3A, %mul3A_326 : i32
      %add3A_328 = arith.addi %mul3A_327, %sub3A_325 : i32
      %jit3A_329 = arith.constant 128 : i32
      %div3A_330 = arith.divsi %add3A_328, %jit3A_329 : i32
      %sign3A_331 = arith.constant 0 : i32
      %sign3A_332 = arith.cmpi sgt, %add3A_328, %sign3A_331 : i32
      %sign3A_333 = arith.extui %sign3A_332 : i1 to i32
      %sign3A_334 = arith.constant 0 : i32
      %sign3A_335 = arith.cmpi slt, %add3A_328, %sign3A_334 : i32
      %sign3A_336 = arith.extui %sign3A_335 : i1 to i32
      %sign3A_337 = arith.subi %sign3A_333, %sign3A_336 : i32
      %sign3A_338 = arith.constant 0 : i32
      %sign3A_339 = arith.cmpi sgt, %jit3A_329, %sign3A_338 : i32
      %sign3A_340 = arith.extui %sign3A_339 : i1 to i32
      %sign3A_341 = arith.constant 0 : i32
      %sign3A_342 = arith.cmpi slt, %jit3A_329, %sign3A_341 : i32
      %sign3A_343 = arith.extui %sign3A_342 : i1 to i32
      %sign3A_344 = arith.subi %sign3A_340, %sign3A_343 : i32
      %ne3A_345 = arith.cmpi ne, %sign3A_337, %sign3A_344 : i32
      %rem3A_346 = arith.remsi %add3A_328, %jit3A_329 : i32
      %ne3A_347 = arith.constant 0 : i32
      %ne3A_348 = arith.cmpi ne, %rem3A_346, %ne3A_347 : i32
      %and3A_349 = arith.andi %ne3A_345, %ne3A_348 : i1
      %sub3A_350 = arith.constant 1 : i32
      %sub3A_351 = arith.subi %div3A_330, %sub3A_350 : i32
      %select_n3A_352 = arith.select %and3A_349, %sub3A_351, %div3A_330 : i32
      %mul3A_353 = arith.constant 40 : i32
      %mul3A_354 = arith.muli %select_n3A_352, %mul3A_353 : i32
      %jit3A_355 = arith.constant 128 : i32
      %eq3A_356 = arith.constant 0 : i32
      %eq3A_357 = arith.cmpi eq, %jit3A_355, %eq3A_356 : i32
      %jit3A_358 = arith.constant 1 : i32
      %select_n3A_359 = arith.select %eq3A_357, %jit3A_358, %jit3A_355 : i32
      %rem3A_360 = arith.remsi %add3A_328, %select_n3A_359 : i32
      %ne3A_361 = arith.constant 0 : i32
      %ne3A_362 = arith.cmpi ne, %rem3A_360, %ne3A_361 : i32
      %lt3A_363 = arith.constant 0 : i32
      %lt3A_364 = arith.cmpi slt, %rem3A_360, %lt3A_363 : i32
      %lt3A_365 = arith.constant 0 : i32
      %lt3A_366 = arith.cmpi slt, %select_n3A_359, %lt3A_365 : i32
      %ne3A_367 = arith.xori %lt3A_364, %lt3A_366 : i1
      %and3A_368 = arith.andi %ne3A_367, %ne3A_362 : i1
      %add3A_369 = arith.addi %rem3A_360, %select_n3A_359 : i32
      %select_n3A_370 = arith.select %and3A_368, %add3A_369, %rem3A_360 : i32
      %mul3A_371 = arith.constant 128 : i32
      %mul3A_372 = arith.muli %select_n3A_370, %mul3A_371 : i32
      %dma_start3A_373 = tpu.memref_slice %arg4[%mul3A_354, %mul3A_372] : memref<200x16384xi32, #tpu.memory_space<hbm>> -> memref<40x128xi32, #tpu.memory_space<hbm>>
      %dma_start3A_374 = tpu.memref_slice %arg4[%mul3A_354, %mul3A_372] : memref<200x16384xi32, #tpu.memory_space<hbm>> -> memref<40x128xi32, #tpu.memory_space<hbm>>
      tpu.enqueue_dma source(%arg6 : memref<40x128xi32, #tpu.memory_space<vmem>>) target(%dma_start3A_374 : memref<40x128xi32, #tpu.memory_space<hbm>>) target_semaphore(%arg18 : memref<!tpu.dma_semaphore, #tpu.memory_space<semaphore_mem>>)
      %add3A_375 = arith.constant 1 : i32
      %add3A_376 = arith.addi %add3A_303, %add3A_375 : i32
      %lt3A_377 = arith.constant 20 : i32
      %lt3A_378 = arith.cmpi slt, %add3A_376, %lt3A_377 : i32
      %convert_element_type3A_379 = arith.extui %lt3A_378 : i1 to i32
      %cond3A_380 = arith.constant 0 : i32
      %cond3A_381 = arith.cmpi ne, %convert_element_type3A_379, %cond3A_380 : i32
      scf.if %cond3A_381 {
        %dma_wait3A_463 = arith.constant 0 : i32
        %dma_wait3A_464 = arith.constant 0 : i32
        %dma_wait3A_465 = tpu.memref_slice %arg2[%dma_wait3A_463, %dma_wait3A_464] : memref<200x16384xi32, #tpu.memory_space<hbm>> -> memref<40x128xi32, #tpu.memory_space<hbm>>
        %dma_wait3A_466 = arith.constant 0 : i32
        %dma_wait3A_467 = arith.constant 0 : i32
        %dma_wait3A_468 = tpu.memref_slice %arg2[%dma_wait3A_466, %dma_wait3A_467] : memref<200x16384xi32, #tpu.memory_space<hbm>> -> memref<40x128xi32, #tpu.memory_space<hbm>>
        tpu.wait_dma2 semaphore(%arg17 : memref<!tpu.dma_semaphore, #tpu.memory_space<semaphore_mem>>) src(%dma_wait3A_468 : memref<40x128xi32, #tpu.memory_space<hbm>>) dst(%arg5 : memref<40x128xi32, #tpu.memory_space<vmem>>)
        %parallel_loop3A_469 = arith.constant 0 : i32
        %parallel_loop3A_470 = arith.constant 5120 : i32
        %parallel_loop3A_471 = arith.constant 16 : i32
        scf.for %parallel_loop3A_472 = %parallel_loop3A_469 to %parallel_loop3A_470 step %parallel_loop3A_471  : i32 {
          %parallel_loop3A_473 = arith.constant 128 : i32
          %parallel_loop3A_474 = arith.divsi %parallel_loop3A_472, %parallel_loop3A_473 : i32
          %parallel_loop3A_475 = arith.constant 0 : i32
          %parallel_loop3A_476 = arith.cmpi sgt, %parallel_loop3A_472, %parallel_loop3A_475 : i32
          %parallel_loop3A_477 = arith.extui %parallel_loop3A_476 : i1 to i32
          %parallel_loop3A_478 = arith.constant 0 : i32
          %parallel_loop3A_479 = arith.cmpi slt, %parallel_loop3A_472, %parallel_loop3A_478 : i32
          %parallel_loop3A_480 = arith.extui %parallel_loop3A_479 : i1 to i32
          %parallel_loop3A_481 = arith.subi %parallel_loop3A_477, %parallel_loop3A_480 : i32
          %parallel_loop3A_482 = arith.constant 0 : i32
          %parallel_loop3A_483 = arith.cmpi sgt, %parallel_loop3A_473, %parallel_loop3A_482 : i32
          %parallel_loop3A_484 = arith.extui %parallel_loop3A_483 : i1 to i32
          %parallel_loop3A_485 = arith.constant 0 : i32
          %parallel_loop3A_486 = arith.cmpi slt, %parallel_loop3A_473, %parallel_loop3A_485 : i32
          %parallel_loop3A_487 = arith.extui %parallel_loop3A_486 : i1 to i32
          %parallel_loop3A_488 = arith.subi %parallel_loop3A_484, %parallel_loop3A_487 : i32
          %parallel_loop3A_489 = arith.cmpi ne, %parallel_loop3A_481, %parallel_loop3A_488 : i32
          %parallel_loop3A_490 = arith.remsi %parallel_loop3A_472, %parallel_loop3A_473 : i32
          %parallel_loop3A_491 = arith.constant 0 : i32
          %parallel_loop3A_492 = arith.cmpi ne, %parallel_loop3A_490, %parallel_loop3A_491 : i32
          %parallel_loop3A_493 = arith.andi %parallel_loop3A_489, %parallel_loop3A_492 : i1
          %parallel_loop3A_494 = arith.constant 1 : i32
          %parallel_loop3A_495 = arith.subi %parallel_loop3A_474, %parallel_loop3A_494 : i32
          %parallel_loop3A_496 = arith.select %parallel_loop3A_493, %parallel_loop3A_495, %parallel_loop3A_474 : i32
          %parallel_loop3A_497 = arith.constant 128 : i32
          %parallel_loop3A_498 = arith.constant 0 : i32
          %parallel_loop3A_499 = arith.cmpi eq, %parallel_loop3A_497, %parallel_loop3A_498 : i32
          %parallel_loop3A_500 = arith.constant 1 : i32
          %parallel_loop3A_501 = arith.select %parallel_loop3A_499, %parallel_loop3A_500, %parallel_loop3A_497 : i32
          %parallel_loop3A_502 = arith.remsi %parallel_loop3A_472, %parallel_loop3A_501 : i32
          %parallel_loop3A_503 = arith.constant 0 : i32
          %parallel_loop3A_504 = arith.cmpi ne, %parallel_loop3A_502, %parallel_loop3A_503 : i32
          %parallel_loop3A_505 = arith.constant 0 : i32
          %parallel_loop3A_506 = arith.cmpi slt, %parallel_loop3A_502, %parallel_loop3A_505 : i32
          %parallel_loop3A_507 = arith.constant 0 : i32
          %parallel_loop3A_508 = arith.cmpi slt, %parallel_loop3A_501, %parallel_loop3A_507 : i32
          %parallel_loop3A_509 = arith.xori %parallel_loop3A_506, %parallel_loop3A_508 : i1
          %parallel_loop3A_510 = arith.andi %parallel_loop3A_509, %parallel_loop3A_504 : i1
          %parallel_loop3A_511 = arith.addi %parallel_loop3A_502, %parallel_loop3A_501 : i32
          %parallel_loop3A_512 = arith.select %parallel_loop3A_510, %parallel_loop3A_511, %parallel_loop3A_502 : i32
          %parallel_loop3A_513 = arith.index_cast %parallel_loop3A_496 : i32 to index
          %parallel_loop3A_514 = arith.index_cast %parallel_loop3A_512 : i32 to index
          %parallel_loop3A_515 = tpu.vector_load %arg5[%parallel_loop3A_513, %parallel_loop3A_514] {strides = array<i32>} : memref<40x128xi32, #tpu.memory_space<vmem>>, vector<1x16xi32>,
          %parallel_loop3A_516 = vector.shape_cast %parallel_loop3A_515 : vector<1x16xi32> to vector<16xi32>
          %parallel_loop3A_517 = arith.constant 0 : i32
          %parallel_loop3A_518 = vector.broadcast %parallel_loop3A_517 : i32 to vector<16xi32>
          %parallel_loop3A_519 = arith.maxsi %parallel_loop3A_516, %parallel_loop3A_518 : vector<16xi32>
          %parallel_loop3A_520 = arith.constant 999999 : i32
          %parallel_loop3A_521 = vector.broadcast %parallel_loop3A_520 : i32 to vector<16xi32>
          %parallel_loop3A_522 = arith.minsi %parallel_loop3A_519, %parallel_loop3A_521 : vector<16xi32>
          %parallel_loop3A_523 = arith.index_cast %parallel_loop3A_472 : i32 to index
          %parallel_loop3A_524 = tpu.vector_load %arg8[%parallel_loop3A_523] {strides = array<i32>} : memref<5120xi32, #tpu.memory_space<vmem>>, vector<16xi32>,
          %parallel_loop3A_525 = vector.shape_cast %parallel_loop3A_524 : vector<16xi32> to vector<16xi32>
          %parallel_loop3A_526 = vector.shape_cast %parallel_loop3A_522 : vector<16xi32> to vector<16xi32>
          tpu.vector_store %arg8[%parallel_loop3A_523], %parallel_loop3A_526 {strides = array<i32>} : memref<5120xi32, #tpu.memory_space<vmem>>, vector<16xi32>,
        } {sc.loop_unroll_factor = 4 : i64, sc.parallel_access}
      } else {
      }
      %add3A_382 = arith.constant 1 : i32
      %add3A_383 = arith.addi %add3A_303, %add3A_382 : i32
      %dma_start3A_384 = arith.constant 0 : i32
      %dma_start3A_385 = tpu.memref_slice %arg14[%dma_start3A_384] : memref<1000000xi32, #tpu.memory_space<vmem_shared>> -> memref<1000000xi32, #tpu.memory_space<vmem_shared>>
      tpu.enqueue_indirect_dma source(%dma_start3A_385 : memref<1000000xi32, #tpu.memory_space<vmem_shared>>) target(%arg10 : memref<5120xi32, #tpu.memory_space<vmem>>) offsets(%arg8 : memref<5120xi32, #tpu.memory_space<vmem>>) semaphore(%arg15 : memref<!tpu.dma_semaphore, #tpu.memory_space<semaphore_mem>>)
      %add3A_386 = arith.constant 1 : i32
      %add3A_387 = arith.addi %add3A_383, %add3A_386 : i32
      %lt3A_388 = arith.constant 20 : i32
      %lt3A_389 = arith.cmpi slt, %add3A_387, %lt3A_388 : i32
      %convert_element_type3A_390 = arith.extui %lt3A_389 : i1 to i32
      %cond3A_391 = arith.constant 0 : i32
      %cond3A_392 = arith.cmpi ne, %convert_element_type3A_390, %cond3A_391 : i32
      scf.if %cond3A_392 {
        %add3A_463 = arith.constant 1 : i32
        %add3A_464 = arith.addi %add3A_383, %add3A_463 : i32
        %mul3A_465 = arith.constant 20 : i32
        %mul3A_466 = arith.muli %add3A, %mul3A_465 : i32
        %add3A_467 = arith.addi %mul3A_466, %add3A_464 : i32
        %jit3A_468 = arith.constant 128 : i32
        %div3A_469 = arith.divsi %add3A_467, %jit3A_468 : i32
        %sign3A_470 = arith.constant 0 : i32
        %sign3A_471 = arith.cmpi sgt, %add3A_467, %sign3A_470 : i32
        %sign3A_472 = arith.extui %sign3A_471 : i1 to i32
        %sign3A_473 = arith.constant 0 : i32
        %sign3A_474 = arith.cmpi slt, %add3A_467, %sign3A_473 : i32
        %sign3A_475 = arith.extui %sign3A_474 : i1 to i32
        %sign3A_476 = arith.subi %sign3A_472, %sign3A_475 : i32
        %sign3A_477 = arith.constant 0 : i32
        %sign3A_478 = arith.cmpi sgt, %jit3A_468, %sign3A_477 : i32
        %sign3A_479 = arith.extui %sign3A_478 : i1 to i32
        %sign3A_480 = arith.constant 0 : i32
        %sign3A_481 = arith.cmpi slt, %jit3A_468, %sign3A_480 : i32
        %sign3A_482 = arith.extui %sign3A_481 : i1 to i32
        %sign3A_483 = arith.subi %sign3A_479, %sign3A_482 : i32
        %ne3A_484 = arith.cmpi ne, %sign3A_476, %sign3A_483 : i32
        %rem3A_485 = arith.remsi %add3A_467, %jit3A_468 : i32
        %ne3A_486 = arith.constant 0 : i32
        %ne3A_487 = arith.cmpi ne, %rem3A_485, %ne3A_486 : i32
        %and3A_488 = arith.andi %ne3A_484, %ne3A_487 : i1
        %sub3A_489 = arith.constant 1 : i32
        %sub3A_490 = arith.subi %div3A_469, %sub3A_489 : i32
        %select_n3A_491 = arith.select %and3A_488, %sub3A_490, %div3A_469 : i32
        %mul3A_492 = arith.constant 40 : i32
        %mul3A_493 = arith.muli %select_n3A_491, %mul3A_492 : i32
        %jit3A_494 = arith.constant 128 : i32
        %eq3A_495 = arith.constant 0 : i32
        %eq3A_496 = arith.cmpi eq, %jit3A_494, %eq3A_495 : i32
        %jit3A_497 = arith.constant 1 : i32
        %select_n3A_498 = arith.select %eq3A_496, %jit3A_497, %jit3A_494 : i32
        %rem3A_499 = arith.remsi %add3A_467, %select_n3A_498 : i32
        %ne3A_500 = arith.constant 0 : i32
        %ne3A_501 = arith.cmpi ne, %rem3A_499, %ne3A_500 : i32
        %lt3A_502 = arith.constant 0 : i32
        %lt3A_503 = arith.cmpi slt, %rem3A_499, %lt3A_502 : i32
        %lt3A_504 = arith.constant 0 : i32
        %lt3A_505 = arith.cmpi slt, %select_n3A_498, %lt3A_504 : i32
        %ne3A_506 = arith.xori %lt3A_503, %lt3A_505 : i1
        %and3A_507 = arith.andi %ne3A_506, %ne3A_501 : i1
        %add3A_508 = arith.addi %rem3A_499, %select_n3A_498 : i32
        %select_n3A_509 = arith.select %and3A_507, %add3A_508, %rem3A_499 : i32
        %mul3A_510 = arith.constant 128 : i32
        %mul3A_511 = arith.muli %select_n3A_509, %mul3A_510 : i32
        %dma_start3A_512 = tpu.memref_slice %arg2[%mul3A_493, %mul3A_511] : memref<200x16384xi32, #tpu.memory_space<hbm>> -> memref<40x128xi32, #tpu.memory_space<hbm>>
        %dma_start3A_513 = tpu.memref_slice %arg2[%mul3A_493, %mul3A_511] : memref<200x16384xi32, #tpu.memory_space<hbm>> -> memref<40x128xi32, #tpu.memory_space<hbm>>
        tpu.enqueue_dma source(%dma_start3A_513 : memref<40x128xi32, #tpu.memory_space<hbm>>) target(%arg5 : memref<40x128xi32, #tpu.memory_space<vmem>>) target_semaphore(%arg17 : memref<!tpu.dma_semaphore, #tpu.memory_space<semaphore_mem>>)
      } else {
      }
      %dma_wait3A_393 = arith.constant 0 : i32
      %dma_wait3A_394 = tpu.memref_slice %arg3[%dma_wait3A_393] : memref<1000000xi32, #tpu.memory_space<hbm>> -> memref<5120xi32, #tpu.memory_space<hbm>>
      %dma_wait3A_395 = arith.constant 0 : i32
      %dma_wait3A_396 = tpu.memref_slice %arg3[%dma_wait3A_395] : memref<1000000xi32, #tpu.memory_space<hbm>> -> memref<5120xi32, #tpu.memory_space<hbm>>
      tpu.wait_dma2 semaphore(%arg16 : memref<!tpu.dma_semaphore, #tpu.memory_space<semaphore_mem>>) src(%dma_wait3A_396 : memref<5120xi32, #tpu.memory_space<hbm>>) dst(%arg11 : memref<5120xi32, #tpu.memory_space<vmem>>)
      %ge3A_397 = arith.constant 3 : i32
      %ge3A_398 = arith.cmpi sge, %add3A_383, %ge3A_397 : i32
      %convert_element_type3A_399 = arith.extui %ge3A_398 : i1 to i32
      %cond3A_400 = arith.constant 0 : i32
      %cond3A_401 = arith.cmpi ne, %convert_element_type3A_399, %cond3A_400 : i32
      scf.if %cond3A_401 {
        %dma_wait3A_463 = arith.constant 0 : i32
        %dma_wait3A_464 = arith.constant 0 : i32
        %dma_wait3A_465 = tpu.memref_slice %arg2[%dma_wait3A_463, %dma_wait3A_464] : memref<200x16384xi32, #tpu.memory_space<hbm>> -> memref<40x128xi32, #tpu.memory_space<hbm>>
        %dma_wait3A_466 = arith.constant 0 : i32
        %dma_wait3A_467 = arith.constant 0 : i32
        %dma_wait3A_468 = tpu.memref_slice %arg2[%dma_wait3A_466, %dma_wait3A_467] : memref<200x16384xi32, #tpu.memory_space<hbm>> -> memref<40x128xi32, #tpu.memory_space<hbm>>
        tpu.wait_dma2 semaphore(%arg19 : memref<!tpu.dma_semaphore, #tpu.memory_space<semaphore_mem>>) src(%dma_wait3A_468 : memref<40x128xi32, #tpu.memory_space<hbm>>) dst(%arg7 : memref<40x128xi32, #tpu.memory_space<vmem>>)
      } else {
      }
      %parallel_loop3A_402 = arith.constant 0 : i32
      %parallel_loop3A_403 = arith.constant 5120 : i32
      %parallel_loop3A_404 = arith.constant 16 : i32
      scf.for %parallel_loop3A_463 = %parallel_loop3A_402 to %parallel_loop3A_403 step %parallel_loop3A_404  : i32 {
        %parallel_loop3A_464 = arith.index_cast %parallel_loop3A_463 : i32 to index
        %parallel_loop3A_465 = tpu.vector_load %arg11[%parallel_loop3A_464] {strides = array<i32>} : memref<5120xi32, #tpu.memory_space<vmem>>, vector<16xi32>,
        %parallel_loop3A_466 = vector.shape_cast %parallel_loop3A_465 : vector<16xi32> to vector<16xi32>
        %parallel_loop3A_467 = arith.constant 128 : i32
        %parallel_loop3A_468 = arith.divsi %parallel_loop3A_463, %parallel_loop3A_467 : i32
        %parallel_loop3A_469 = arith.constant 0 : i32
        %parallel_loop3A_470 = arith.cmpi sgt, %parallel_loop3A_463, %parallel_loop3A_469 : i32
        %parallel_loop3A_471 = arith.extui %parallel_loop3A_470 : i1 to i32
        %parallel_loop3A_472 = arith.constant 0 : i32
        %parallel_loop3A_473 = arith.cmpi slt, %parallel_loop3A_463, %parallel_loop3A_472 : i32
        %parallel_loop3A_474 = arith.extui %parallel_loop3A_473 : i1 to i32
        %parallel_loop3A_475 = arith.subi %parallel_loop3A_471, %parallel_loop3A_474 : i32
        %parallel_loop3A_476 = arith.constant 0 : i32
        %parallel_loop3A_477 = arith.cmpi sgt, %parallel_loop3A_467, %parallel_loop3A_476 : i32
        %parallel_loop3A_478 = arith.extui %parallel_loop3A_477 : i1 to i32
        %parallel_loop3A_479 = arith.constant 0 : i32
        %parallel_loop3A_480 = arith.cmpi slt, %parallel_loop3A_467, %parallel_loop3A_479 : i32
        %parallel_loop3A_481 = arith.extui %parallel_loop3A_480 : i1 to i32
        %parallel_loop3A_482 = arith.subi %parallel_loop3A_478, %parallel_loop3A_481 : i32
        %parallel_loop3A_483 = arith.cmpi ne, %parallel_loop3A_475, %parallel_loop3A_482 : i32
        %parallel_loop3A_484 = arith.remsi %parallel_loop3A_463, %parallel_loop3A_467 : i32
        %parallel_loop3A_485 = arith.constant 0 : i32
        %parallel_loop3A_486 = arith.cmpi ne, %parallel_loop3A_484, %parallel_loop3A_485 : i32
        %parallel_loop3A_487 = arith.andi %parallel_loop3A_483, %parallel_loop3A_486 : i1
        %parallel_loop3A_488 = arith.constant 1 : i32
        %parallel_loop3A_489 = arith.subi %parallel_loop3A_468, %parallel_loop3A_488 : i32
        %parallel_loop3A_490 = arith.select %parallel_loop3A_487, %parallel_loop3A_489, %parallel_loop3A_468 : i32
        %parallel_loop3A_491 = arith.constant 128 : i32
        %parallel_loop3A_492 = arith.constant 0 : i32
        %parallel_loop3A_493 = arith.cmpi eq, %parallel_loop3A_491, %parallel_loop3A_492 : i32
        %parallel_loop3A_494 = arith.constant 1 : i32
        %parallel_loop3A_495 = arith.select %parallel_loop3A_493, %parallel_loop3A_494, %parallel_loop3A_491 : i32
        %parallel_loop3A_496 = arith.remsi %parallel_loop3A_463, %parallel_loop3A_495 : i32
        %parallel_loop3A_497 = arith.constant 0 : i32
        %parallel_loop3A_498 = arith.cmpi ne, %parallel_loop3A_496, %parallel_loop3A_497 : i32
        %parallel_loop3A_499 = arith.constant 0 : i32
        %parallel_loop3A_500 = arith.cmpi slt, %parallel_loop3A_496, %parallel_loop3A_499 : i32
        %parallel_loop3A_501 = arith.constant 0 : i32
        %parallel_loop3A_502 = arith.cmpi slt, %parallel_loop3A_495, %parallel_loop3A_501 : i32
        %parallel_loop3A_503 = arith.xori %parallel_loop3A_500, %parallel_loop3A_502 : i1
        %parallel_loop3A_504 = arith.andi %parallel_loop3A_503, %parallel_loop3A_498 : i1
        %parallel_loop3A_505 = arith.addi %parallel_loop3A_496, %parallel_loop3A_495 : i32
        %parallel_loop3A_506 = arith.select %parallel_loop3A_504, %parallel_loop3A_505, %parallel_loop3A_496 : i32
        %parallel_loop3A_507 = arith.index_cast %parallel_loop3A_490 : i32 to index
        %parallel_loop3A_508 = arith.index_cast %parallel_loop3A_506 : i32 to index
        %parallel_loop3A_509 = tpu.vector_load %arg7[%parallel_loop3A_507, %parallel_loop3A_508] {strides = array<i32>} : memref<40x128xi32, #tpu.memory_space<vmem>>, vector<1x16xi32>,
        %parallel_loop3A_510 = vector.shape_cast %parallel_loop3A_509 : vector<1x16xi32> to vector<16xi32>
        %parallel_loop3A_511 = vector.shape_cast %parallel_loop3A_466 : vector<16xi32> to vector<1x16xi32>
        tpu.vector_store %arg7[%parallel_loop3A_507, %parallel_loop3A_508], %parallel_loop3A_511 {strides = array<i32>} : memref<40x128xi32, #tpu.memory_space<vmem>>, vector<1x16xi32>,
      } {sc.loop_unroll_factor = 4 : i64, sc.parallel_access}
      %sub3A_405 = arith.constant 1 : i32
      %sub3A_406 = arith.subi %add3A_383, %sub3A_405 : i32
      %mul3A_407 = arith.constant 20 : i32
      %mul3A_408 = arith.muli %add3A, %mul3A_407 : i32
      %add3A_409 = arith.addi %mul3A_408, %sub3A_406 : i32
      %jit3A_410 = arith.constant 128 : i32
      %div3A_411 = arith.divsi %add3A_409, %jit3A_410 : i32
      %sign3A_412 = arith.constant 0 : i32
      %sign3A_413 = arith.cmpi sgt, %add3A_409, %sign3A_412 : i32
      %sign3A_414 = arith.extui %sign3A_413 : i1 to i32
      %sign3A_415 = arith.constant 0 : i32
      %sign3A_416 = arith.cmpi slt, %add3A_409, %sign3A_415 : i32
      %sign3A_417 = arith.extui %sign3A_416 : i1 to i32
      %sign3A_418 = arith.subi %sign3A_414, %sign3A_417 : i32
      %sign3A_419 = arith.constant 0 : i32
      %sign3A_420 = arith.cmpi sgt, %jit3A_410, %sign3A_419 : i32
      %sign3A_421 = arith.extui %sign3A_420 : i1 to i32
      %sign3A_422 = arith.constant 0 : i32
      %sign3A_423 = arith.cmpi slt, %jit3A_410, %sign3A_422 : i32
      %sign3A_424 = arith.extui %sign3A_423 : i1 to i32
      %sign3A_425 = arith.subi %sign3A_421, %sign3A_424 : i32
      %ne3A_426 = arith.cmpi ne, %sign3A_418, %sign3A_425 : i32
      %rem3A_427 = arith.remsi %add3A_409, %jit3A_410 : i32
      %ne3A_428 = arith.constant 0 : i32
      %ne3A_429 = arith.cmpi ne, %rem3A_427, %ne3A_428 : i32
      %and3A_430 = arith.andi %ne3A_426, %ne3A_429 : i1
      %sub3A_431 = arith.constant 1 : i32
      %sub3A_432 = arith.subi %div3A_411, %sub3A_431 : i32
      %select_n3A_433 = arith.select %and3A_430, %sub3A_432, %div3A_411 : i32
      %mul3A_434 = arith.constant 40 : i32
      %mul3A_435 = arith.muli %select_n3A_433, %mul3A_434 : i32
      %jit3A_436 = arith.constant 128 : i32
      %eq3A_437 = arith.constant 0 : i32
      %eq3A_438 = arith.cmpi eq, %jit3A_436, %eq3A_437 : i32
      %jit3A_439 = arith.constant 1 : i32
      %select_n3A_440 = arith.select %eq3A_438, %jit3A_439, %jit3A_436 : i32
      %rem3A_441 = arith.remsi %add3A_409, %select_n3A_440 : i32
      %ne3A_442 = arith.constant 0 : i32
      %ne3A_443 = arith.cmpi ne, %rem3A_441, %ne3A_442 : i32
      %lt3A_444 = arith.constant 0 : i32
      %lt3A_445 = arith.cmpi slt, %rem3A_441, %lt3A_444 : i32
      %lt3A_446 = arith.constant 0 : i32
      %lt3A_447 = arith.cmpi slt, %select_n3A_440, %lt3A_446 : i32
      %ne3A_448 = arith.xori %lt3A_445, %lt3A_447 : i1
      %and3A_449 = arith.andi %ne3A_448, %ne3A_443 : i1
      %add3A_450 = arith.addi %rem3A_441, %select_n3A_440 : i32
      %select_n3A_451 = arith.select %and3A_449, %add3A_450, %rem3A_441 : i32
      %mul3A_452 = arith.constant 128 : i32
      %mul3A_453 = arith.muli %select_n3A_451, %mul3A_452 : i32
      %dma_start3A_454 = tpu.memref_slice %arg4[%mul3A_435, %mul3A_453] : memref<200x16384xi32, #tpu.memory_space<hbm>> -> memref<40x128xi32, #tpu.memory_space<hbm>>
      %dma_start3A_455 = tpu.memref_slice %arg4[%mul3A_435, %mul3A_453] : memref<200x16384xi32, #tpu.memory_space<hbm>> -> memref<40x128xi32, #tpu.memory_space<hbm>>
      tpu.enqueue_dma source(%arg7 : memref<40x128xi32, #tpu.memory_space<vmem>>) target(%dma_start3A_455 : memref<40x128xi32, #tpu.memory_space<hbm>>) target_semaphore(%arg19 : memref<!tpu.dma_semaphore, #tpu.memory_space<semaphore_mem>>)
      %add3A_456 = arith.constant 1 : i32
      %add3A_457 = arith.addi %add3A_383, %add3A_456 : i32
      %lt3A_458 = arith.constant 20 : i32
      %lt3A_459 = arith.cmpi slt, %add3A_457, %lt3A_458 : i32
      %convert_element_type3A_460 = arith.extui %lt3A_459 : i1 to i32
      %cond3A_461 = arith.constant 0 : i32
      %cond3A_462 = arith.cmpi ne, %convert_element_type3A_460, %cond3A_461 : i32
      scf.if %cond3A_462 {
        %dma_wait3A_463 = arith.constant 0 : i32
        %dma_wait3A_464 = arith.constant 0 : i32
        %dma_wait3A_465 = tpu.memref_slice %arg2[%dma_wait3A_463, %dma_wait3A_464] : memref<200x16384xi32, #tpu.memory_space<hbm>> -> memref<40x128xi32, #tpu.memory_space<hbm>>
        %dma_wait3A_466 = arith.constant 0 : i32
        %dma_wait3A_467 = arith.constant 0 : i32
        %dma_wait3A_468 = tpu.memref_slice %arg2[%dma_wait3A_466, %dma_wait3A_467] : memref<200x16384xi32, #tpu.memory_space<hbm>> -> memref<40x128xi32, #tpu.memory_space<hbm>>
        tpu.wait_dma2 semaphore(%arg17 : memref<!tpu.dma_semaphore, #tpu.memory_space<semaphore_mem>>) src(%dma_wait3A_468 : memref<40x128xi32, #tpu.memory_space<hbm>>) dst(%arg5 : memref<40x128xi32, #tpu.memory_space<vmem>>)
        %parallel_loop3A_469 = arith.constant 0 : i32
        %parallel_loop3A_470 = arith.constant 5120 : i32
        %parallel_loop3A_471 = arith.constant 16 : i32
        scf.for %parallel_loop3A_472 = %parallel_loop3A_469 to %parallel_loop3A_470 step %parallel_loop3A_471  : i32 {
          %parallel_loop3A_473 = arith.constant 128 : i32
          %parallel_loop3A_474 = arith.divsi %parallel_loop3A_472, %parallel_loop3A_473 : i32
          %parallel_loop3A_475 = arith.constant 0 : i32
          %parallel_loop3A_476 = arith.cmpi sgt, %parallel_loop3A_472, %parallel_loop3A_475 : i32
          %parallel_loop3A_477 = arith.extui %parallel_loop3A_476 : i1 to i32
          %parallel_loop3A_478 = arith.constant 0 : i32
          %parallel_loop3A_479 = arith.cmpi slt, %parallel_loop3A_472, %parallel_loop3A_478 : i32
          %parallel_loop3A_480 = arith.extui %parallel_loop3A_479 : i1 to i32
          %parallel_loop3A_481 = arith.subi %parallel_loop3A_477, %parallel_loop3A_480 : i32
          %parallel_loop3A_482 = arith.constant 0 : i32
          %parallel_loop3A_483 = arith.cmpi sgt, %parallel_loop3A_473, %parallel_loop3A_482 : i32
          %parallel_loop3A_484 = arith.extui %parallel_loop3A_483 : i1 to i32
          %parallel_loop3A_485 = arith.constant 0 : i32
          %parallel_loop3A_486 = arith.cmpi slt, %parallel_loop3A_473, %parallel_loop3A_485 : i32
          %parallel_loop3A_487 = arith.extui %parallel_loop3A_486 : i1 to i32
          %parallel_loop3A_488 = arith.subi %parallel_loop3A_484, %parallel_loop3A_487 : i32
          %parallel_loop3A_489 = arith.cmpi ne, %parallel_loop3A_481, %parallel_loop3A_488 : i32
          %parallel_loop3A_490 = arith.remsi %parallel_loop3A_472, %parallel_loop3A_473 : i32
          %parallel_loop3A_491 = arith.constant 0 : i32
          %parallel_loop3A_492 = arith.cmpi ne, %parallel_loop3A_490, %parallel_loop3A_491 : i32
          %parallel_loop3A_493 = arith.andi %parallel_loop3A_489, %parallel_loop3A_492 : i1
          %parallel_loop3A_494 = arith.constant 1 : i32
          %parallel_loop3A_495 = arith.subi %parallel_loop3A_474, %parallel_loop3A_494 : i32
          %parallel_loop3A_496 = arith.select %parallel_loop3A_493, %parallel_loop3A_495, %parallel_loop3A_474 : i32
          %parallel_loop3A_497 = arith.constant 128 : i32
          %parallel_loop3A_498 = arith.constant 0 : i32
          %parallel_loop3A_499 = arith.cmpi eq, %parallel_loop3A_497, %parallel_loop3A_498 : i32
          %parallel_loop3A_500 = arith.constant 1 : i32
          %parallel_loop3A_501 = arith.select %parallel_loop3A_499, %parallel_loop3A_500, %parallel_loop3A_497 : i32
          %parallel_loop3A_502 = arith.remsi %parallel_loop3A_472, %parallel_loop3A_501 : i32
          %parallel_loop3A_503 = arith.constant 0 : i32
          %parallel_loop3A_504 = arith.cmpi ne, %parallel_loop3A_502, %parallel_loop3A_503 : i32
          %parallel_loop3A_505 = arith.constant 0 : i32
          %parallel_loop3A_506 = arith.cmpi slt, %parallel_loop3A_502, %parallel_loop3A_505 : i32
          %parallel_loop3A_507 = arith.constant 0 : i32
          %parallel_loop3A_508 = arith.cmpi slt, %parallel_loop3A_501, %parallel_loop3A_507 : i32
          %parallel_loop3A_509 = arith.xori %parallel_loop3A_506, %parallel_loop3A_508 : i1
          %parallel_loop3A_510 = arith.andi %parallel_loop3A_509, %parallel_loop3A_504 : i1
          %parallel_loop3A_511 = arith.addi %parallel_loop3A_502, %parallel_loop3A_501 : i32
          %parallel_loop3A_512 = arith.select %parallel_loop3A_510, %parallel_loop3A_511, %parallel_loop3A_502 : i32
          %parallel_loop3A_513 = arith.index_cast %parallel_loop3A_496 : i32 to index
          %parallel_loop3A_514 = arith.index_cast %parallel_loop3A_512 : i32 to index
          %parallel_loop3A_515 = tpu.vector_load %arg5[%parallel_loop3A_513, %parallel_loop3A_514] {strides = array<i32>} : memref<40x128xi32, #tpu.memory_space<vmem>>, vector<1x16xi32>,
          %parallel_loop3A_516 = vector.shape_cast %parallel_loop3A_515 : vector<1x16xi32> to vector<16xi32>
          %parallel_loop3A_517 = arith.constant 0 : i32
          %parallel_loop3A_518 = vector.broadcast %parallel_loop3A_517 : i32 to vector<16xi32>
          %parallel_loop3A_519 = arith.maxsi %parallel_loop3A_516, %parallel_loop3A_518 : vector<16xi32>
          %parallel_loop3A_520 = arith.constant 999999 : i32
          %parallel_loop3A_521 = vector.broadcast %parallel_loop3A_520 : i32 to vector<16xi32>
          %parallel_loop3A_522 = arith.minsi %parallel_loop3A_519, %parallel_loop3A_521 : vector<16xi32>
          %parallel_loop3A_523 = arith.index_cast %parallel_loop3A_472 : i32 to index
          %parallel_loop3A_524 = tpu.vector_load %arg9[%parallel_loop3A_523] {strides = array<i32>} : memref<5120xi32, #tpu.memory_space<vmem>>, vector<16xi32>,
          %parallel_loop3A_525 = vector.shape_cast %parallel_loop3A_524 : vector<16xi32> to vector<16xi32>
          %parallel_loop3A_526 = vector.shape_cast %parallel_loop3A_522 : vector<16xi32> to vector<16xi32>
          tpu.vector_store %arg9[%parallel_loop3A_523], %parallel_loop3A_526 {strides = array<i32>} : memref<5120xi32, #tpu.memory_space<vmem>>, vector<16xi32>,
        } {sc.loop_unroll_factor = 4 : i64, sc.parallel_access}
      } else {
      }
    }
    %scan3A_158 = arith.constant 9 : i32
    %dma_start3A_159 = arith.constant 0 : i32
    %dma_start3A_160 = tpu.memref_slice %arg14[%dma_start3A_159] : memref<1000000xi32, #tpu.memory_space<vmem_shared>> -> memref<1000000xi32, #tpu.memory_space<vmem_shared>>
    tpu.enqueue_indirect_dma source(%dma_start3A_160 : memref<1000000xi32, #tpu.memory_space<vmem_shared>>) target(%arg11 : memref<5120xi32, #tpu.memory_space<vmem>>) offsets(%arg9 : memref<5120xi32, #tpu.memory_space<vmem>>) semaphore(%arg16 : memref<!tpu.dma_semaphore, #tpu.memory_space<semaphore_mem>>)
    %dma_wait3A_161 = arith.constant 0 : i32
    %dma_wait3A_162 = tpu.memref_slice %arg3[%dma_wait3A_161] : memref<1000000xi32, #tpu.memory_space<hbm>> -> memref<5120xi32, #tpu.memory_space<hbm>>
    %dma_wait3A_163 = arith.constant 0 : i32
    %dma_wait3A_164 = tpu.memref_slice %arg3[%dma_wait3A_163] : memref<1000000xi32, #tpu.memory_space<hbm>> -> memref<5120xi32, #tpu.memory_space<hbm>>
    tpu.wait_dma2 semaphore(%arg15 : memref<!tpu.dma_semaphore, #tpu.memory_space<semaphore_mem>>) src(%dma_wait3A_164 : memref<5120xi32, #tpu.memory_space<hbm>>) dst(%arg10 : memref<5120xi32, #tpu.memory_space<vmem>>)
    %dma_wait3A_165 = arith.constant 0 : i32
    %dma_wait3A_166 = arith.constant 0 : i32
    %dma_wait3A_167 = tpu.memref_slice %arg2[%dma_wait3A_165, %dma_wait3A_166] : memref<200x16384xi32, #tpu.memory_space<hbm>> -> memref<40x128xi32, #tpu.memory_space<hbm>>
    %dma_wait3A_168 = arith.constant 0 : i32
    %dma_wait3A_169 = arith.constant 0 : i32
    %dma_wait3A_170 = tpu.memref_slice %arg2[%dma_wait3A_168, %dma_wait3A_169] : memref<200x16384xi32, #tpu.memory_space<hbm>> -> memref<40x128xi32, #tpu.memory_space<hbm>>
    tpu.wait_dma2 semaphore(%arg18 : memref<!tpu.dma_semaphore, #tpu.memory_space<semaphore_mem>>) src(%dma_wait3A_170 : memref<40x128xi32, #tpu.memory_space<hbm>>) dst(%arg6 : memref<40x128xi32, #tpu.memory_space<vmem>>)
    %parallel_loop3A_171 = arith.constant 0 : i32
    %parallel_loop3A_172 = arith.constant 5120 : i32
    %parallel_loop3A_173 = arith.constant 16 : i32
    scf.for %parallel_loop3A_299 = %parallel_loop3A_171 to %parallel_loop3A_172 step %parallel_loop3A_173  : i32 {
      %parallel_loop3A_300 = arith.index_cast %parallel_loop3A_299 : i32 to index
      %parallel_loop3A_301 = tpu.vector_load %arg10[%parallel_loop3A_300] {strides = array<i32>} : memref<5120xi32, #tpu.memory_space<vmem>>, vector<16xi32>,
      %parallel_loop3A_302 = vector.shape_cast %parallel_loop3A_301 : vector<16xi32> to vector<16xi32>
      %parallel_loop3A_303 = arith.constant 128 : i32
      %parallel_loop3A_304 = arith.divsi %parallel_loop3A_299, %parallel_loop3A_303 : i32
      %parallel_loop3A_305 = arith.constant 0 : i32
      %parallel_loop3A_306 = arith.cmpi sgt, %parallel_loop3A_299, %parallel_loop3A_305 : i32
      %parallel_loop3A_307 = arith.extui %parallel_loop3A_306 : i1 to i32
      %parallel_loop3A_308 = arith.constant 0 : i32
      %parallel_loop3A_309 = arith.cmpi slt, %parallel_loop3A_299, %parallel_loop3A_308 : i32
      %parallel_loop3A_310 = arith.extui %parallel_loop3A_309 : i1 to i32
      %parallel_loop3A_311 = arith.subi %parallel_loop3A_307, %parallel_loop3A_310 : i32
      %parallel_loop3A_312 = arith.constant 0 : i32
      %parallel_loop3A_313 = arith.cmpi sgt, %parallel_loop3A_303, %parallel_loop3A_312 : i32
      %parallel_loop3A_314 = arith.extui %parallel_loop3A_313 : i1 to i32
      %parallel_loop3A_315 = arith.constant 0 : i32
      %parallel_loop3A_316 = arith.cmpi slt, %parallel_loop3A_303, %parallel_loop3A_315 : i32
      %parallel_loop3A_317 = arith.extui %parallel_loop3A_316 : i1 to i32
      %parallel_loop3A_318 = arith.subi %parallel_loop3A_314, %parallel_loop3A_317 : i32
      %parallel_loop3A_319 = arith.cmpi ne, %parallel_loop3A_311, %parallel_loop3A_318 : i32
      %parallel_loop3A_320 = arith.remsi %parallel_loop3A_299, %parallel_loop3A_303 : i32
      %parallel_loop3A_321 = arith.constant 0 : i32
      %parallel_loop3A_322 = arith.cmpi ne, %parallel_loop3A_320, %parallel_loop3A_321 : i32
      %parallel_loop3A_323 = arith.andi %parallel_loop3A_319, %parallel_loop3A_322 : i1
      %parallel_loop3A_324 = arith.constant 1 : i32
      %parallel_loop3A_325 = arith.subi %parallel_loop3A_304, %parallel_loop3A_324 : i32
      %parallel_loop3A_326 = arith.select %parallel_loop3A_323, %parallel_loop3A_325, %parallel_loop3A_304 : i32
      %parallel_loop3A_327 = arith.constant 128 : i32
      %parallel_loop3A_328 = arith.constant 0 : i32
      %parallel_loop3A_329 = arith.cmpi eq, %parallel_loop3A_327, %parallel_loop3A_328 : i32
      %parallel_loop3A_330 = arith.constant 1 : i32
      %parallel_loop3A_331 = arith.select %parallel_loop3A_329, %parallel_loop3A_330, %parallel_loop3A_327 : i32
      %parallel_loop3A_332 = arith.remsi %parallel_loop3A_299, %parallel_loop3A_331 : i32
      %parallel_loop3A_333 = arith.constant 0 : i32
      %parallel_loop3A_334 = arith.cmpi ne, %parallel_loop3A_332, %parallel_loop3A_333 : i32
      %parallel_loop3A_335 = arith.constant 0 : i32
      %parallel_loop3A_336 = arith.cmpi slt, %parallel_loop3A_332, %parallel_loop3A_335 : i32
      %parallel_loop3A_337 = arith.constant 0 : i32
      %parallel_loop3A_338 = arith.cmpi slt, %parallel_loop3A_331, %parallel_loop3A_337 : i32
      %parallel_loop3A_339 = arith.xori %parallel_loop3A_336, %parallel_loop3A_338 : i1
      %parallel_loop3A_340 = arith.andi %parallel_loop3A_339, %parallel_loop3A_334 : i1
      %parallel_loop3A_341 = arith.addi %parallel_loop3A_332, %parallel_loop3A_331 : i32
      %parallel_loop3A_342 = arith.select %parallel_loop3A_340, %parallel_loop3A_341, %parallel_loop3A_332 : i32
      %parallel_loop3A_343 = arith.index_cast %parallel_loop3A_326 : i32 to index
      %parallel_loop3A_344 = arith.index_cast %parallel_loop3A_342 : i32 to index
      %parallel_loop3A_345 = tpu.vector_load %arg6[%parallel_loop3A_343, %parallel_loop3A_344] {strides = array<i32>} : memref<40x128xi32, #tpu.memory_space<vmem>>, vector<1x16xi32>,
      %parallel_loop3A_346 = vector.shape_cast %parallel_loop3A_345 : vector<1x16xi32> to vector<16xi32>
      %parallel_loop3A_347 = vector.shape_cast %parallel_loop3A_302 : vector<16xi32> to vector<1x16xi32>
      tpu.vector_store %arg6[%parallel_loop3A_343, %parallel_loop3A_344], %parallel_loop3A_347 {strides = array<i32>} : memref<40x128xi32, #tpu.memory_space<vmem>>, vector<1x16xi32>,
    } {sc.loop_unroll_factor = 4 : i64, sc.parallel_access}
    %mul3A_174 = arith.constant 20 : i32
    %mul3A_175 = arith.muli %add3A, %mul3A_174 : i32
    %add3A_176 = arith.constant 18 : i32
    %add3A_177 = arith.addi %mul3A_175, %add3A_176 : i32
    %jit3A_178 = arith.constant 128 : i32
    %div3A_179 = arith.divsi %add3A_177, %jit3A_178 : i32
    %sign3A_180 = arith.constant 0 : i32
    %sign3A_181 = arith.cmpi sgt, %add3A_177, %sign3A_180 : i32
    %sign3A_182 = arith.extui %sign3A_181 : i1 to i32
    %sign3A_183 = arith.constant 0 : i32
    %sign3A_184 = arith.cmpi slt, %add3A_177, %sign3A_183 : i32
    %sign3A_185 = arith.extui %sign3A_184 : i1 to i32
    %sign3A_186 = arith.subi %sign3A_182, %sign3A_185 : i32
    %sign3A_187 = arith.constant 0 : i32
    %sign3A_188 = arith.cmpi sgt, %jit3A_178, %sign3A_187 : i32
    %sign3A_189 = arith.extui %sign3A_188 : i1 to i32
    %sign3A_190 = arith.constant 0 : i32
    %sign3A_191 = arith.cmpi slt, %jit3A_178, %sign3A_190 : i32
    %sign3A_192 = arith.extui %sign3A_191 : i1 to i32
    %sign3A_193 = arith.subi %sign3A_189, %sign3A_192 : i32
    %ne3A_194 = arith.cmpi ne, %sign3A_186, %sign3A_193 : i32
    %rem3A_195 = arith.remsi %add3A_177, %jit3A_178 : i32
    %ne3A_196 = arith.constant 0 : i32
    %ne3A_197 = arith.cmpi ne, %rem3A_195, %ne3A_196 : i32
    %and3A_198 = arith.andi %ne3A_194, %ne3A_197 : i1
    %sub3A_199 = arith.constant 1 : i32
    %sub3A_200 = arith.subi %div3A_179, %sub3A_199 : i32
    %select_n3A_201 = arith.select %and3A_198, %sub3A_200, %div3A_179 : i32
    %mul3A_202 = arith.constant 40 : i32
    %mul3A_203 = arith.muli %select_n3A_201, %mul3A_202 : i32
    %jit3A_204 = arith.constant 128 : i32
    %eq3A_205 = arith.constant 0 : i32
    %eq3A_206 = arith.cmpi eq, %jit3A_204, %eq3A_205 : i32
    %jit3A_207 = arith.constant 1 : i32
    %select_n3A_208 = arith.select %eq3A_206, %jit3A_207, %jit3A_204 : i32
    %rem3A_209 = arith.remsi %add3A_177, %select_n3A_208 : i32
    %ne3A_210 = arith.constant 0 : i32
    %ne3A_211 = arith.cmpi ne, %rem3A_209, %ne3A_210 : i32
    %lt3A_212 = arith.constant 0 : i32
    %lt3A_213 = arith.cmpi slt, %rem3A_209, %lt3A_212 : i32
    %lt3A_214 = arith.constant 0 : i32
    %lt3A_215 = arith.cmpi slt, %select_n3A_208, %lt3A_214 : i32
    %ne3A_216 = arith.xori %lt3A_213, %lt3A_215 : i1
    %and3A_217 = arith.andi %ne3A_216, %ne3A_211 : i1
    %add3A_218 = arith.addi %rem3A_209, %select_n3A_208 : i32
    %select_n3A_219 = arith.select %and3A_217, %add3A_218, %rem3A_209 : i32
    %mul3A_220 = arith.constant 128 : i32
    %mul3A_221 = arith.muli %select_n3A_219, %mul3A_220 : i32
    %dma_start3A_222 = tpu.memref_slice %arg4[%mul3A_203, %mul3A_221] : memref<200x16384xi32, #tpu.memory_space<hbm>> -> memref<40x128xi32, #tpu.memory_space<hbm>>
    %dma_start3A_223 = tpu.memref_slice %arg4[%mul3A_203, %mul3A_221] : memref<200x16384xi32, #tpu.memory_space<hbm>> -> memref<40x128xi32, #tpu.memory_space<hbm>>
    tpu.enqueue_dma source(%arg6 : memref<40x128xi32, #tpu.memory_space<vmem>>) target(%dma_start3A_223 : memref<40x128xi32, #tpu.memory_space<hbm>>) target_semaphore(%arg18 : memref<!tpu.dma_semaphore, #tpu.memory_space<semaphore_mem>>)
    %dma_wait3A_224 = arith.constant 0 : i32
    %dma_wait3A_225 = tpu.memref_slice %arg3[%dma_wait3A_224] : memref<1000000xi32, #tpu.memory_space<hbm>> -> memref<5120xi32, #tpu.memory_space<hbm>>
    %dma_wait3A_226 = arith.constant 0 : i32
    %dma_wait3A_227 = tpu.memref_slice %arg3[%dma_wait3A_226] : memref<1000000xi32, #tpu.memory_space<hbm>> -> memref<5120xi32, #tpu.memory_space<hbm>>
    tpu.wait_dma2 semaphore(%arg16 : memref<!tpu.dma_semaphore, #tpu.memory_space<semaphore_mem>>) src(%dma_wait3A_227 : memref<5120xi32, #tpu.memory_space<hbm>>) dst(%arg11 : memref<5120xi32, #tpu.memory_space<vmem>>)
    %dma_wait3A_228 = arith.constant 0 : i32
    %dma_wait3A_229 = arith.constant 0 : i32
    %dma_wait3A_230 = tpu.memref_slice %arg2[%dma_wait3A_228, %dma_wait3A_229] : memref<200x16384xi32, #tpu.memory_space<hbm>> -> memref<40x128xi32, #tpu.memory_space<hbm>>
    %dma_wait3A_231 = arith.constant 0 : i32
    %dma_wait3A_232 = arith.constant 0 : i32
    %dma_wait3A_233 = tpu.memref_slice %arg2[%dma_wait3A_231, %dma_wait3A_232] : memref<200x16384xi32, #tpu.memory_space<hbm>> -> memref<40x128xi32, #tpu.memory_space<hbm>>
    tpu.wait_dma2 semaphore(%arg19 : memref<!tpu.dma_semaphore, #tpu.memory_space<semaphore_mem>>) src(%dma_wait3A_233 : memref<40x128xi32, #tpu.memory_space<hbm>>) dst(%arg7 : memref<40x128xi32, #tpu.memory_space<vmem>>)
    %parallel_loop3A_234 = arith.constant 0 : i32
    %parallel_loop3A_235 = arith.constant 5120 : i32
    %parallel_loop3A_236 = arith.constant 16 : i32
    scf.for %parallel_loop3A_299 = %parallel_loop3A_234 to %parallel_loop3A_235 step %parallel_loop3A_236  : i32 {
      %parallel_loop3A_300 = arith.index_cast %parallel_loop3A_299 : i32 to index
      %parallel_loop3A_301 = tpu.vector_load %arg11[%parallel_loop3A_300] {strides = array<i32>} : memref<5120xi32, #tpu.memory_space<vmem>>, vector<16xi32>,
      %parallel_loop3A_302 = vector.shape_cast %parallel_loop3A_301 : vector<16xi32> to vector<16xi32>
      %parallel_loop3A_303 = arith.constant 128 : i32
      %parallel_loop3A_304 = arith.divsi %parallel_loop3A_299, %parallel_loop3A_303 : i32
      %parallel_loop3A_305 = arith.constant 0 : i32
      %parallel_loop3A_306 = arith.cmpi sgt, %parallel_loop3A_299, %parallel_loop3A_305 : i32
      %parallel_loop3A_307 = arith.extui %parallel_loop3A_306 : i1 to i32
      %parallel_loop3A_308 = arith.constant 0 : i32
      %parallel_loop3A_309 = arith.cmpi slt, %parallel_loop3A_299, %parallel_loop3A_308 : i32
      %parallel_loop3A_310 = arith.extui %parallel_loop3A_309 : i1 to i32
      %parallel_loop3A_311 = arith.subi %parallel_loop3A_307, %parallel_loop3A_310 : i32
      %parallel_loop3A_312 = arith.constant 0 : i32
      %parallel_loop3A_313 = arith.cmpi sgt, %parallel_loop3A_303, %parallel_loop3A_312 : i32
      %parallel_loop3A_314 = arith.extui %parallel_loop3A_313 : i1 to i32
      %parallel_loop3A_315 = arith.constant 0 : i32
      %parallel_loop3A_316 = arith.cmpi slt, %parallel_loop3A_303, %parallel_loop3A_315 : i32
      %parallel_loop3A_317 = arith.extui %parallel_loop3A_316 : i1 to i32
      %parallel_loop3A_318 = arith.subi %parallel_loop3A_314, %parallel_loop3A_317 : i32
      %parallel_loop3A_319 = arith.cmpi ne, %parallel_loop3A_311, %parallel_loop3A_318 : i32
      %parallel_loop3A_320 = arith.remsi %parallel_loop3A_299, %parallel_loop3A_303 : i32
      %parallel_loop3A_321 = arith.constant 0 : i32
      %parallel_loop3A_322 = arith.cmpi ne, %parallel_loop3A_320, %parallel_loop3A_321 : i32
      %parallel_loop3A_323 = arith.andi %parallel_loop3A_319, %parallel_loop3A_322 : i1
      %parallel_loop3A_324 = arith.constant 1 : i32
      %parallel_loop3A_325 = arith.subi %parallel_loop3A_304, %parallel_loop3A_324 : i32
      %parallel_loop3A_326 = arith.select %parallel_loop3A_323, %parallel_loop3A_325, %parallel_loop3A_304 : i32
      %parallel_loop3A_327 = arith.constant 128 : i32
      %parallel_loop3A_328 = arith.constant 0 : i32
      %parallel_loop3A_329 = arith.cmpi eq, %parallel_loop3A_327, %parallel_loop3A_328 : i32
      %parallel_loop3A_330 = arith.constant 1 : i32
      %parallel_loop3A_331 = arith.select %parallel_loop3A_329, %parallel_loop3A_330, %parallel_loop3A_327 : i32
      %parallel_loop3A_332 = arith.remsi %parallel_loop3A_299, %parallel_loop3A_331 : i32
      %parallel_loop3A_333 = arith.constant 0 : i32
      %parallel_loop3A_334 = arith.cmpi ne, %parallel_loop3A_332, %parallel_loop3A_333 : i32
      %parallel_loop3A_335 = arith.constant 0 : i32
      %parallel_loop3A_336 = arith.cmpi slt, %parallel_loop3A_332, %parallel_loop3A_335 : i32
      %parallel_loop3A_337 = arith.constant 0 : i32
      %parallel_loop3A_338 = arith.cmpi slt, %parallel_loop3A_331, %parallel_loop3A_337 : i32
      %parallel_loop3A_339 = arith.xori %parallel_loop3A_336, %parallel_loop3A_338 : i1
      %parallel_loop3A_340 = arith.andi %parallel_loop3A_339, %parallel_loop3A_334 : i1
      %parallel_loop3A_341 = arith.addi %parallel_loop3A_332, %parallel_loop3A_331 : i32
      %parallel_loop3A_342 = arith.select %parallel_loop3A_340, %parallel_loop3A_341, %parallel_loop3A_332 : i32
      %parallel_loop3A_343 = arith.index_cast %parallel_loop3A_326 : i32 to index
      %parallel_loop3A_344 = arith.index_cast %parallel_loop3A_342 : i32 to index
      %parallel_loop3A_345 = tpu.vector_load %arg7[%parallel_loop3A_343, %parallel_loop3A_344] {strides = array<i32>} : memref<40x128xi32, #tpu.memory_space<vmem>>, vector<1x16xi32>,
      %parallel_loop3A_346 = vector.shape_cast %parallel_loop3A_345 : vector<1x16xi32> to vector<16xi32>
      %parallel_loop3A_347 = vector.shape_cast %parallel_loop3A_302 : vector<16xi32> to vector<1x16xi32>
      tpu.vector_store %arg7[%parallel_loop3A_343, %parallel_loop3A_344], %parallel_loop3A_347 {strides = array<i32>} : memref<40x128xi32, #tpu.memory_space<vmem>>, vector<1x16xi32>,
    } {sc.loop_unroll_factor = 4 : i64, sc.parallel_access}
    %mul3A_237 = arith.constant 20 : i32
    %mul3A_238 = arith.muli %add3A, %mul3A_237 : i32
    %add3A_239 = arith.constant 19 : i32
    %add3A_240 = arith.addi %mul3A_238, %add3A_239 : i32
    %jit3A_241 = arith.constant 128 : i32
    %div3A_242 = arith.divsi %add3A_240, %jit3A_241 : i32
    %sign3A_243 = arith.constant 0 : i32
    %sign3A_244 = arith.cmpi sgt, %add3A_240, %sign3A_243 : i32
    %sign3A_245 = arith.extui %sign3A_244 : i1 to i32
    %sign3A_246 = arith.constant 0 : i32
    %sign3A_247 = arith.cmpi slt, %add3A_240, %sign3A_246 : i32
    %sign3A_248 = arith.extui %sign3A_247 : i1 to i32
    %sign3A_249 = arith.subi %sign3A_245, %sign3A_248 : i32
    %sign3A_250 = arith.constant 0 : i32
    %sign3A_251 = arith.cmpi sgt, %jit3A_241, %sign3A_250 : i32
    %sign3A_252 = arith.extui %sign3A_251 : i1 to i32
    %sign3A_253 = arith.constant 0 : i32
    %sign3A_254 = arith.cmpi slt, %jit3A_241, %sign3A_253 : i32
    %sign3A_255 = arith.extui %sign3A_254 : i1 to i32
    %sign3A_256 = arith.subi %sign3A_252, %sign3A_255 : i32
    %ne3A_257 = arith.cmpi ne, %sign3A_249, %sign3A_256 : i32
    %rem3A_258 = arith.remsi %add3A_240, %jit3A_241 : i32
    %ne3A_259 = arith.constant 0 : i32
    %ne3A_260 = arith.cmpi ne, %rem3A_258, %ne3A_259 : i32
    %and3A_261 = arith.andi %ne3A_257, %ne3A_260 : i1
    %sub3A_262 = arith.constant 1 : i32
    %sub3A_263 = arith.subi %div3A_242, %sub3A_262 : i32
    %select_n3A_264 = arith.select %and3A_261, %sub3A_263, %div3A_242 : i32
    %mul3A_265 = arith.constant 40 : i32
    %mul3A_266 = arith.muli %select_n3A_264, %mul3A_265 : i32
    %jit3A_267 = arith.constant 128 : i32
    %eq3A_268 = arith.constant 0 : i32
    %eq3A_269 = arith.cmpi eq, %jit3A_267, %eq3A_268 : i32
    %jit3A_270 = arith.constant 1 : i32
    %select_n3A_271 = arith.select %eq3A_269, %jit3A_270, %jit3A_267 : i32
    %rem3A_272 = arith.remsi %add3A_240, %select_n3A_271 : i32
    %ne3A_273 = arith.constant 0 : i32
    %ne3A_274 = arith.cmpi ne, %rem3A_272, %ne3A_273 : i32
    %lt3A_275 = arith.constant 0 : i32
    %lt3A_276 = arith.cmpi slt, %rem3A_272, %lt3A_275 : i32
    %lt3A_277 = arith.constant 0 : i32
    %lt3A_278 = arith.cmpi slt, %select_n3A_271, %lt3A_277 : i32
    %ne3A_279 = arith.xori %lt3A_276, %lt3A_278 : i1
    %and3A_280 = arith.andi %ne3A_279, %ne3A_274 : i1
    %add3A_281 = arith.addi %rem3A_272, %select_n3A_271 : i32
    %select_n3A_282 = arith.select %and3A_280, %add3A_281, %rem3A_272 : i32
    %mul3A_283 = arith.constant 128 : i32
    %mul3A_284 = arith.muli %select_n3A_282, %mul3A_283 : i32
    %dma_start3A_285 = tpu.memref_slice %arg4[%mul3A_266, %mul3A_284] : memref<200x16384xi32, #tpu.memory_space<hbm>> -> memref<40x128xi32, #tpu.memory_space<hbm>>
    %dma_start3A_286 = tpu.memref_slice %arg4[%mul3A_266, %mul3A_284] : memref<200x16384xi32, #tpu.memory_space<hbm>> -> memref<40x128xi32, #tpu.memory_space<hbm>>
    tpu.enqueue_dma source(%arg7 : memref<40x128xi32, #tpu.memory_space<vmem>>) target(%dma_start3A_286 : memref<40x128xi32, #tpu.memory_space<hbm>>) target_semaphore(%arg19 : memref<!tpu.dma_semaphore, #tpu.memory_space<semaphore_mem>>)
    %dma_wait3A_287 = arith.constant 0 : i32
    %dma_wait3A_288 = arith.constant 0 : i32
    %dma_wait3A_289 = tpu.memref_slice %arg2[%dma_wait3A_287, %dma_wait3A_288] : memref<200x16384xi32, #tpu.memory_space<hbm>> -> memref<40x128xi32, #tpu.memory_space<hbm>>
    %dma_wait3A_290 = arith.constant 0 : i32
    %dma_wait3A_291 = arith.constant 0 : i32
    %dma_wait3A_292 = tpu.memref_slice %arg2[%dma_wait3A_290, %dma_wait3A_291] : memref<200x16384xi32, #tpu.memory_space<hbm>> -> memref<40x128xi32, #tpu.memory_space<hbm>>
    tpu.wait_dma2 semaphore(%arg18 : memref<!tpu.dma_semaphore, #tpu.memory_space<semaphore_mem>>) src(%dma_wait3A_292 : memref<40x128xi32, #tpu.memory_space<hbm>>) dst(%arg6 : memref<40x128xi32, #tpu.memory_space<vmem>>)
    %dma_wait3A_293 = arith.constant 0 : i32
    %dma_wait3A_294 = arith.constant 0 : i32
    %dma_wait3A_295 = tpu.memref_slice %arg2[%dma_wait3A_293, %dma_wait3A_294] : memref<200x16384xi32, #tpu.memory_space<hbm>> -> memref<40x128xi32, #tpu.memory_space<hbm>>
    %dma_wait3A_296 = arith.constant 0 : i32
    %dma_wait3A_297 = arith.constant 0 : i32
    %dma_wait3A_298 = tpu.memref_slice %arg2[%dma_wait3A_296, %dma_wait3A_297] : memref<200x16384xi32, #tpu.memory_space<hbm>> -> memref<40x128xi32, #tpu.memory_space<hbm>>
    tpu.wait_dma2 semaphore(%arg19 : memref<!tpu.dma_semaphore, #tpu.memory_space<semaphore_mem>>) src(%dma_wait3A_298 : memref<40x128xi32, #tpu.memory_space<hbm>>) dst(%arg7 : memref<40x128xi32, #tpu.memory_space<vmem>>)
    return
  }
}

</mosaic_0001>

<sc_bundles>
// kernel: _run.3.cloned.1.call-start
scs
__scs_entry_jumppad:
0x0: {  	(pc) =	sbr.rel $0x88, $3  }
0x1: {  	(tag) =	ssettag $0x0;
	lr =	simm.s32 $0x1  }
0x2: {  	[smem:$0x3F9F] =	sst lr;
	_ =	strace $0xD0000000  }
0x3: {  	_ = 	snop  }
0x4: {  	_ = 	snop  }
0x5: {  	_ = 	snop  }
0x6: {  	_ = 	snop  }
0x7: {  	_ = 	snop  }
__scs_overlays_trampoline_lowered:
0x8: {  	[smem:$0x3FAE] =	sst s0  }
0x9: {  	[smem:$0x3FAF] =	sst s1  }
0xa: {  	[smem:$0x3FB0] =	sst s2  }
0xb: {  	[smem:$0x3FB1] =	sst s3  }
0xc: {  	[smem:$0x3FB2] =	sst s4  }
0xd: {  	[smem:$0x3FB3] =	sst s5  }
0xe: {  	[smem:$0x3FB4] =	sst s6  }
0xf: {  	[smem:$0x3FB5] =	sst s7  }
0x10: {  	[smem:$0x3FB6] =	sst s8  }
0x11: {  	[smem:$0x3FB7] =	sst s9;
	s0 =	simm.s32 @!p0 $0x0  }
0x12: {  	s1 =	sld [smem:$0x3F9D];
	s0 =	simm.s32 @p0 $0x1  }
0x13: {  	[smem:$0x3FB8] =	sst s0;
	s0 =	simm.s32 @!p1 $0x0  }
0x14: {  	s2 =	sld [smem:$0x3F9C];
	s0 =	simm.s32 @p1 $0x1  }
0x15: {  	[smem:$0x3FB9] =	sst s0;
	s0 =	simm.s32 @!p2 $0x0  }
0x16: {  	s3 =	sld [smem:$0x3FDB];
	s0 =	simm.s32 @p2 $0x1  }
0x17: {  	s4 =	simm.s32 $0x1BF5;
	[smem:$0x3FBB] =	sst s0  }
0x18: {  	s0 =	sld [smem:$0x3F9E];
	_ =	swait.ge [sflag:s4], $0x0  }
0x19: {  	s7 =	sld [smem:$0x3F9F]  }
0x1a: {  	s8 =	sadd.s32 $0xFFFFE003, lr  }
0x1b: {  	s9 =	sadd.s32 $0xFFFFFEF7, lr;
	s5 =	simm.s32 $0xFFFFFFFF;
	p2 =	slt.u32 s8, $0xFFFFF086  }
0x1c: {  	p1 =	slt.u32 s9, $0xF7A;
	s5 =	simm.s32 @!p2 $0x0  }
0x1d: {  	s5 =	simm.s32 @p1 $0x1;
	p0 =	seq.s32 s7, s2  }
0x1e: {  	s7 =	smul.u32 @!p0 $0xF7A, s2;
	p2 =	seq.s32 @!p0 s5, $0x0  }
0x1f: {  	s9 =	smul.u32 $0xF7A, s1;
	s8 =	simm.s32 @!p0 $0x1BF5;
	p2 =	por !p2, p0  }
0x20: {  	[sflag:s8] =	ssyncset.s32 @!p0 $0xFFFFF086;
	s6 =	sadd.s32 @!p0 s3, s7;
	s7 =	simm.s32 @!p0 $0x108  }
0x21: {  	s3 =	sadd.s32 s3, s9;
	s6 =	sadd.s32 @!p0 $0x88, s6;
	s7 =	simm.s32 @p2 $0x1082  }
0x22: {  	[simem:s7], [sflag:s8] =	dma.local @!p0 [hbm:s6], $0xF7A  }
0x23: {  	s9 =	sor.u32 $0xD0000000, s2;
	s6 =	simm.s32 $0x108;
	_ =	swait.ge @!p0 [sflag:s8], $0x0  }
0x24: {  	s3 =	sadd.s32 $0x88, s3;
	s6 =	simm.s32 @!p1 $0x1082;
	[sflag:s4] =	ssyncset.s32 $0xFFFFF086  }
0x25: {  	[simem:s6], [sflag:s4] =	dma.local [hbm:s3], $0xF7A  }
0x26: {  	[smem:$0x3F9F] =	sst s1;
	(tag) =	ssettag s2;
	_ =	strace s9  }
0x27: {  	s1 =	sld [smem:$0x3FAF]  }
0x28: {  	s2 =	sld [smem:$0x3FB0]  }
0x29: {  	s4 =	sld [smem:$0x3FB2]  }
0x2a: {  	p0 =	seq.s32 s5, $0x0;
	s5 =	sld [smem:$0x3FB3]  }
0x2b: {  	s6 =	sld [smem:$0x3FB4]  }
0x2c: {  	s7 =	sld [smem:$0x3FB5]  }
0x2d: {  	s3 =	simm.s32 $0x108;
	s8 =	sld [smem:$0x3FB6]  }
0x2e: {  	s3 =	simm.s32 @!p0 $0x1082;
	s9 =	sld [smem:$0x3FB7]  }
0x2f: {  	lr =	sadd.s32 s0, s3;
	s0 =	sld [smem:$0x3FAE]  }
0x30: {  	s3 =	sld [smem:$0x3FB1]  }
0x31: {  	[smem:$0x3FBA] =	sst s10  }
0x32: {  	s10 =	sld [smem:$0x3FB8];
	_ =	sdelay $0x3  }
0x33: {  	p0 =	seq.s32 s10, $0x1;
	s10 =	sld [smem:$0x3FBA];
	_ =	sdelay $0x3  }
0x34: {  	[smem:$0x3FBA] =	sst s10  }
0x35: {  	s10 =	sld [smem:$0x3FB9];
	_ =	sdelay $0x3  }
0x36: {  	p1 =	seq.s32 s10, $0x1;
	s10 =	sld [smem:$0x3FBA];
	_ =	sdelay $0x3  }
0x37: {  	[smem:$0x3FBA] =	sst s10  }
0x38: {  	s10 =	sld [smem:$0x3FBB]  }
0x39: {  	_ = 	snop;
	(pc) =	sbr.ind lr, $3  }
0x3a: {  	_ = 	snop  }
0x3b: {  	_ = 	snop  }
0x3c: {  	p2 =	seq.s32 s10, $0x1;
	s10 =	sld [smem:$0x3FBA]  }
0x3d: {  	_ =	shalt  }
0x3e: {  	_ =	shalt  }
0x3f: {  	_ =	shalt  }
0x40: {  	_ =	shalt  }
0x41: {  	_ =	shalt  }
0x42: {  	_ =	shalt  }
0x43: {  	_ =	shalt  }
0x44: {  	_ =	shalt  }
0x45: {  	_ =	shalt  }
0x46: {  	_ =	shalt  }
0x47: {  	_ =	shalt  }
0x48: {  	_ =	shalt  }
0x49: {  	_ =	shalt  }
0x4a: {  	_ =	shalt  }
0x4b: {  	_ =	shalt  }
0x4c: {  	_ =	shalt  }
0x4d: {  	_ =	shalt  }
0x4e: {  	_ =	shalt  }
0x4f: {  	_ =	shalt  }
0x50: {  	_ =	shalt  }
0x51: {  	_ =	shalt  }
0x52: {  	_ =	shalt  }
0x53: {  	_ =	shalt  }
0x54: {  	_ =	shalt  }
0x55: {  	_ =	shalt  }
0x56: {  	_ =	shalt  }
0x57: {  	_ =	shalt  }
0x58: {  	_ =	shalt  }
0x59: {  	_ =	shalt  }
0x5a: {  	_ =	shalt  }
0x5b: {  	_ =	shalt  }
0x5c: {  	_ =	shalt  }
0x5d: {  	_ =	shalt  }
0x5e: {  	_ =	shalt  }
0x5f: {  	_ =	shalt  }
0x60: {  	_ =	shalt  }
0x61: {  	_ =	shalt  }
0x62: {  	_ =	shalt  }
0x63: {  	_ =	shalt  }
0x64: {  	_ =	shalt  }
0x65: {  	_ =	shalt  }
0x66: {  	_ =	shalt  }
0x67: {  	_ =	shalt  }
0x68: {  	_ =	shalt  }
0x69: {  	_ =	shalt  }
0x6a: {  	_ =	shalt  }
0x6b: {  	_ =	shalt  }
0x6c: {  	_ =	shalt  }
0x6d: {  	_ =	shalt  }
0x6e: {  	_ =	shalt  }
0x6f: {  	_ =	shalt  }
0x70: {  	_ =	shalt  }
0x71: {  	_ =	shalt  }
0x72: {  	_ =	shalt  }
0x73: {  	_ =	shalt  }
0x74: {  	_ =	shalt  }
0x75: {  	_ =	shalt  }
0x76: {  	_ =	shalt  }
0x77: {  	_ =	shalt  }
0x78: {  	_ =	shalt  }
0x79: {  	_ =	shalt  }
0x7a: {  	_ =	shalt  }
0x7b: {  	_ =	shalt  }
0x7c: {  	_ =	shalt  }
0x7d: {  	_ =	shalt  }
0x7e: {  	_ =	shalt  }
0x7f: {  	_ =	shalt  }
0x80: {  	_ =	shalt  }
0x81: {  	_ =	shalt  }
0x82: {  	_ =	shalt  }
0x83: {  	_ =	shalt  }
0x84: {  	_ =	shalt  }
0x85: {  	_ =	shalt  }
0x86: {  	_ =	shalt  }
0x87: {  	_ =	shalt  }
.Lfunc_end0:
.L_simem_size_0:
called_computation_lowered:
.L_overlay_start_0:
0x88: {  	s2 =	sld [smem:$0x3FD9]  }
0x89: {  	s3 =	sld [smem:$0x3FFE];
	_ =	sdelay $0x1  }
0x8a: {  	s1 =	srdreg.scid  }
0x8b: {  	s0 =	sand.u32 $0x1, s1  }
0x8c: {  	s17 =	sshll.u32 s0, $0xA;
	s2 =	sadd.s32 s3, s2  }
0x8d: {  	s2 =	sadd.s32 s2, s17  }
0x8e: {  	[smem:$0x3FC6] =	sst s2  }
0x8f: {  	_ = 	snop  }
0x90: {  	s2 =	sld [smem:$0x3FC9]  }
0x91: {  	s18 =	sld [smem:$0x3FC8];
	(tm) =	ssettm $0x1  }
0x92: {  	s4 =	sld [smem:$0x3FFB];
	_ =	sdelay $0x3  }
0x93: {  	_ =	strace s4  }
0x94: {  	s4 =	sld [smem:$0x3FFC];
	_ =	sdelay $0x3  }
0x95: {  	_ =	strace s4  }
0x96: {  	s4 =	sld [smem:$0x3FFD];
	_ =	sdelay $0x3  }
0x97: {  	_ =	strace s4  }
0x98: {  	_ =	strace $0x8FFFFFFF  }
0x99: {  	s19 =	sld [smem:$0x3FDB];
	_ =	sdelay $0x1  }
0x9a: {  	s5 =	simm.s32 $_scs_section_size  }
0x9b: {  	s6 =	simm.s32 $_size__tile_overlayer_lowered;
	s7 =	simm.s32 $_tile_overlayer_lowered  }
0x9c: {  	s22 =	simm.s32 $0x1BFF;
	s21 =	sshll.u32 s7, $0x1;
	s4 =	sadd.s32 s5, s19  }
0x9d: {  	s8 =	simm.s32 $0x0;
	s20 =	sshll.u32 s6, $0x1;
	s6 =	sadd.s32 s21, s4  }
0x9e: {  	[timem:s8], [sflag:s22] =	dma.local [hbm:s6], s20  }
0x9f: {  	_ =	swait.ge [sflag:s22], s20  }
0xa0: {  	s5 =	ssub.s32 $0x0, s20;
	[sflag:s22] =	ssyncset.done $0x0  }
0xa1: {  	[sflag:s22] =	ssyncadd.s32 s5;
	_ =	sdelay $0x1  }
0xa2: {  	s23 =	simm.s32 $0x1B8B  }
0xa3: {  	_ =	swait.ge [sflag:s23], $0x1  }
0xa4: {  	[sflag:s23] =	ssyncset.done $0x0  }
0xa5: {  	s25 =	simm.s32 $0x1B8E;
	s24 =	sld [smem:$0x3FFE];
	[sflag:s23] =	ssyncadd.s32 $0xFFFFFFFF  }
0xa6: {  	s26 =	simm.s32 $execute0_lowered;
	[smem:$0x3FD2] =	sst s25  }
0xa7: {  	s6 =	sshll.u32 s26, $0x1;
	_ =	strace $0x80000046;
	[dreg:$0x1] =	wrdreg $0xFFFFFFFF  }
0xa8: {  	s28 =	simm.s32 $_size_execute0_lowered;
	s4 =	sadd.s32 s4, s6;
	[dreg:$0x0] =	wrdreg $0x0  }
0xa9: {  	s6 =	sshll.u32 s28, $0x1;
	[dreg:$0x2] =	wrdreg s4  }
0xaa: {  	[dreg:$0x3] =	wrdreg s6  }
0xab: {  	[dreg:$0x4] =	wrdreg $0xC0  }
0xac: {  	_ =	task [dreg:s8], $0x5FFFF  }
0xad: {  	[dreg:$0x1] =	wrdreg $0xFFFFFFFF  }
0xae: {  	[dreg:$0x0] =	wrdreg $0x60  }
0xaf: {  	[dreg:$0x2] =	wrdreg s2  }
0xb0: {  	[dreg:$0x3] =	wrdreg s18  }
0xb1: {  	[dreg:$0x4] =	wrdreg s24  }
0xb2: {  	[dreg:$0x5] =	wrdreg $0xDB000  }
0xb3: {  	[dreg:$0x6] =	wrdreg $0x9  }
0xb4: {  	_ =	task.clear_ibuf [dreg:s8], $0x7FFFF;
	_ =	strace $0x90000046  }
0xb5: {  	s29 =	simm.s32 $0x9;
	_ =	strace $0x80000048  }
0xb6: {  	_ =	swait.ge [sflag:s29], $0x1  }
0xb7: {  	[sflag:s29] =	ssyncadd.s32 $0xFFFFFFFF  }
0xb8: {  	_ =	strace $0x90000048  }
0xb9: {  	_ =	sfence  }
0xba: {  	s30 =	sld [smem:$0x0];
	_ =	sdelay $0x2  }
0xbb: {  	s31 =	sshll.u32 s1, $0xD;
	s1 =	sshrl.u32 s1, $0x2  }
0xbc: {  	s3 =	sand.u32 $0x4000, s31;
	s1 =	sadd.s32 s1, s30  }
0xbd: {  	s0 =	sor.u32 s3, s0;
	s1 =	sshll.u32 s1, $0x11  }
0xbe: {  	s0 =	sor.u32 s1, s0  }
0xbf: {  	s0 =	sadd.s32 $0x8F2B, s0  }
0xc0: {  	[sflag:s0] =	ssyncadd.remote.s32 $0x1  }
0xc1: {  	_ =	sfence.sel $0xFFFF  }
0xc2: {  	[dreg:$0x0] =	wrdreg $0xFFFFFFFF;
	(pc) =	sbr.abs _section_cstart, $3  }
0xc3: {  	[dreg:$0x1] =	wrdreg $0xFFFFFFFF  }
0xc4: {  	_ =	task.clear_ibuf [dreg:s8], $0x2FFFF;
	_ =	strace $0x9FFFFFFF  }
0xc5: {  	(tm) =	ssettm $0x7FFFFFFF  }
tec
execute0_lowered:
.L_overlay_start_1:
0x0: {  	(tag) =	ssettag $0x1  }
0x1: {  	s1 =	rddreg [dreg:$0x0];
	s0 =	srdreg.scid  }
0x2: {  	s15 =	stileid.u32;
	s2 =	rddreg [dreg:$0x1]  }
0x3: {  	s6 =	rddreg [dreg:$0x2];
	s5 =	simm.s32 $0x0;
	s29 =	simm.s32 $0x400  }
0x4: {  	s30 =	simm.s32 $0x20000;
	s0 =	sand.u32 $0x1, s0;
	s3 =	sshll.u32 s15, $0x1  }
0x5: {  	[smem:$0x7FF] =	sst s5;
	s10 =	smul.u32 $0x2710, s15;
	s6 =	sadd.s32 $0x400, s6  }
0x6: {  	p0 =	sgt.u32 s15, $0x3;
	s15 =	simm.s32 $0x1;
	s7 =	sor.u32 s0, s3  }
0x7: {  	s3 =	rddreg [dreg:$0x3];
	s0 =	ssub.s32 $0x2, s0;
	s4 =	smul.u32 $0x14, s7  }
0x8: {  	_ =	strace $0x80000047;
	s7 =	smul.u32 $0x5000, s7;
	s9 =	sshrl.u32 s0, $0x1  }
0x9: {  	s19 =	sshrl.u32 s10, $0x3;
	s20 =	sadd.s32 $0x27100, s10;
	s23 =	sadd.s32 s10, s3  }
0xa: {  	s24 =	sadd.s32 $0x4E200, s10;
	s31 =	sadd.s32 $0x75300, s10;
	s11 =	sadd.s32 $0x9C400, s10  }
0xb: {  	s12 =	sadd.s32 $0xC3500, s10;
	s18 =	sadd.s32 $0xEA600, s10;
	s0 =	ssub.s32 s0, s9  }
0xc: {  	s21 =	sadd.s32 s2, s19;
	s22 =	sshrl.u32 s20, $0x3;
	[dreg:$0x7] =	wrdreg s23  }
0xd: {  	s25 =	sadd.s32 s20, s3;
	s26 =	sshrl.u32 s24, $0x3;
	s13 =	sshrl.u32 s31, $0x3  }
0xe: {  	s14 =	sshrl.u32 s11, $0x3;
	s17 =	sshrl.u32 s12, $0x3;
	[dreg:$0x6] =	wrdreg s21  }
0xf: {  	s9 =	sadd.s32 s31, s3;
	s8 =	sshrl.u32 s4, $0x7;
	[dreg:$0x9] =	wrdreg s25  }
0x10: {  	s7 =	sand.u32 $0x1F000, s7;
	s21 =	sadd.s32 $0x13, s4;
	[dreg:$0x10] =	wrdreg s9  }
0x11: {  	s25 =	sadd.s32 s12, s3;
	s0 =	smax.u32 s0, $0x1;
	s28 =	sor.u32 $0x3, s4  }
0x12: {  	s12 =	simm.s32 $0x6400;
	s8 =	smul.u32 $0xA0000, s8;
	[dreg:$0x12] =	wrdreg s25  }
0x13: {  	s23 =	sshll.u32 s21, $0xA;
	[dreg:$0x17] =	wrdreg s0;
	s25 =	simm.s32 $0x5  }
0x14: {  	s9 =	sand.u32 $0x1FC00, s23;
	s7 =	sor.u32 s7, s8;
	s8 =	sadd.s32 s2, s26  }
0x15: {  	s7 =	sshrl.u32 s7, $0x3;
	[dreg:$0xa] =	wrdreg s8;
	s8 =	sadd.s32 s2, s13  }
0x16: {  	s13 =	sadd.s32 $0x12, s4;
	s16 =	sadd.s32 s1, s7;
	s7 =	sadd.s32 s2, s22  }
0x17: {  	[dreg:$0xb] =	wrdreg s8;
	s8 =	sadd.s32 s2, s14;
	s19 =	sshrl.u32 s13, $0x7  }
0x18: {  	s14 =	sshrl.u32 s18, $0x3;
	s13 =	sshll.u32 s13, $0xA;
	[dreg:$0x8] =	wrdreg s7  }
0x19: {  	s22 =	sshrl.u32 s21, $0x7;
	[dreg:$0xc] =	wrdreg s8;
	s8 =	sadd.s32 s2, s17  }
0x1a: {  	s10 =	smul.u32 $0xA0000, s19;
	s2 =	sadd.s32 s2, s14;
	s20 =	sand.u32 $0x1F800, s13  }
0x1b: {  	s7 =	sadd.s32 s24, s3;
	s24 =	sadd.s32 s11, s3;
	[dreg:$0x5] =	wrdreg s16  }
0x1c: {  	s26 =	sadd.s32 $0x80, s16;
	s11 =	simm.s32 $0x3C00;
	[dreg:$0xd] =	wrdreg s8  }
0x1d: {  	s13 =	simm.s32 $0x5000;
	s14 =	simm.s32 $0x7800;
	[dreg:$0xe] =	wrdreg s2  }
0x1e: {  	s16 =	simm.s32 $0x2;
	s17 =	simm.s32 $0x2800;
	[dreg:$0xf] =	wrdreg s7  }
0x1f: {  	s7 =	smul.u32 $0xA0000, s22;
	[dreg:$0x11] =	wrdreg s24;
	s8 =	sadd.s32 s18, s3  }
0x20: {  	[dreg:$0x14] =	wrdreg s26;
	s26 =	sor.u32 $0x2, s4;
	s2 =	sor.u32 s20, s10  }
0x21: {  	s24 =	simm.s32 $0x4;
	s2 =	sshrl.u32 s2, $0x3;
	s7 =	sor.u32 s9, s7  }
0x22: {  	[dreg:$0x13] =	wrdreg s8;
	s2 =	sadd.s32 s6, s2;
	s31 =	sshrl.u32 s7, $0x3  }
0x23: {  	s10 =	simm.s32 $0x1400;
	[dreg:$0x15] =	wrdreg s2;
	s2 =	sadd.s32 s6, s31  }
0x24: {  	s7 =	simm.s32 $0x0;
	[dreg:$0x16] =	wrdreg s2;
	s2 =	simm.s32 $0x3  }
.LBB2_1:
0x25: {  	[dreg:$0x18] =	wrdreg s7  }
0x26: {  	s0 =	rddreg [dreg:$0x5]  }
0x27: {  	[tilespmem:s5], [sflag:$0x3] =	stream.strided.gather [hbm4b:s0+s29], $0x1400, s30, s29, $0x38;
	[tilespmem:$0x1CF28] =	vst v63  }
0x28: {  	s9 =	rddreg [dreg:$0x6];
	s7 =	simm.s32 $0x8C00  }
0x29: {  	[tilespmem:s7], [sflag:$0x3] =	stream.linear.gather [hbm4b:s9+s5], $0x2710, $0x38;
	[tilespmem:$0x1CF28] =	vst v63  }
0x2a: {  	_ =	swait.ge [sflag:s2], $0x2710  }
0x2b: {  	[sflag:s2] =	ssyncset.done $0x0  }
0x2c: {  	s18 =	rddreg [dreg:$0x7];
	[sflag:s2] =	ssyncadd.s32 $0xFFFFD8F0  }
0x2d: {  	[spmem:s18] =	stream.linear.scatter [tilespmem:s7], [sflag:$0x4], $0x2710, $0x38;
	[tilespmem:$0x1CF28] =	vst v63  }
0x2e: {  	s8 =	simm.s32 $0xB380;
	s19 =	rddreg [dreg:$0x8]  }
0x2f: {  	[tilespmem:s8], [sflag:$0x3] =	stream.linear.gather [hbm4b:s19+s5], $0x2710, $0x38;
	[tilespmem:$0x1CF28] =	vst v63  }
0x30: {  	_ =	swait.ge [sflag:s2], $0x2710  }
0x31: {  	[sflag:s2] =	ssyncset.done $0x0  }
0x32: {  	s20 =	rddreg [dreg:$0x9];
	[sflag:s2] =	ssyncadd.s32 $0xFFFFD8F0  }
0x33: {  	[spmem:s20] =	stream.linear.scatter [tilespmem:s8], [sflag:$0x5], $0x2710, $0x38;
	[tilespmem:$0x1CF28] =	vst v63  }
0x34: {  	_ =	swait.ge [sflag:s24], $0x2710  }
0x35: {  	[sflag:s24] =	ssyncset.done $0x0  }
0x36: {  	s21 =	rddreg [dreg:$0xa];
	[sflag:s24] =	ssyncadd.s32 $0xFFFFD8F0  }
0x37: {  	[tilespmem:s7], [sflag:$0x3] =	stream.linear.gather [hbm4b:s21+s5], $0x2710, $0x38;
	[tilespmem:$0x1CF28] =	vst v63  }
0x38: {  	_ =	swait.ge [sflag:s2], $0x2710  }
0x39: {  	[sflag:s2] =	ssyncset.done $0x0  }
0x3a: {  	s22 =	rddreg [dreg:$0xf];
	[sflag:s2] =	ssyncadd.s32 $0xFFFFD8F0  }
0x3b: {  	[spmem:s22] =	stream.linear.scatter [tilespmem:s7], [sflag:$0x4], $0x2710, $0x38;
	[tilespmem:$0x1CF28] =	vst v63  }
0x3c: {  	_ =	swait.ge [sflag:s25], $0x2710  }
0x3d: {  	[sflag:s25] =	ssyncset.done $0x0  }
0x3e: {  	s23 =	rddreg [dreg:$0xb];
	[sflag:s25] =	ssyncadd.s32 $0xFFFFD8F0  }
0x3f: {  	[tilespmem:s8], [sflag:$0x3] =	stream.linear.gather [hbm4b:s23+s5], $0x2710, $0x38;
	[tilespmem:$0x1CF28] =	vst v63  }
0x40: {  	_ =	swait.ge [sflag:s2], $0x2710  }
0x41: {  	[sflag:s2] =	ssyncset.done $0x0  }
0x42: {  	s31 =	rddreg [dreg:$0x10];
	[sflag:s2] =	ssyncadd.s32 $0xFFFFD8F0  }
0x43: {  	[spmem:s31] =	stream.linear.scatter [tilespmem:s8], [sflag:$0x5], $0x2710, $0x38;
	[tilespmem:$0x1CF28] =	vst v63  }
0x44: {  	_ =	swait.ge [sflag:s24], $0x2710  }
0x45: {  	[sflag:s24] =	ssyncset.done $0x0  }
0x46: {  	s9 =	rddreg [dreg:$0xc];
	[sflag:s24] =	ssyncadd.s32 $0xFFFFD8F0  }
0x47: {  	[tilespmem:s7], [sflag:$0x3] =	stream.linear.gather [hbm4b:s9+s5], $0x2710, $0x38;
	[tilespmem:$0x1CF28] =	vst v63  }
0x48: {  	_ =	swait.ge [sflag:s2], $0x2710  }
0x49: {  	[sflag:s2] =	ssyncset.done $0x0  }
0x4a: {  	s18 =	rddreg [dreg:$0x11];
	[sflag:s2] =	ssyncadd.s32 $0xFFFFD8F0  }
0x4b: {  	[spmem:s18] =	stream.linear.scatter [tilespmem:s7], [sflag:$0x4], $0x2710, $0x38;
	[tilespmem:$0x1CF28] =	vst v63  }
0x4c: {  	_ =	swait.ge [sflag:s25], $0x2710  }
0x4d: {  	[sflag:s25] =	ssyncset.done $0x0  }
0x4e: {  	s19 =	rddreg [dreg:$0xd];
	[sflag:s25] =	ssyncadd.s32 $0xFFFFD8F0  }
0x4f: {  	[tilespmem:s8], [sflag:$0x3] =	stream.linear.gather [hbm4b:s19+s5], $0x2710, $0x38;
	[tilespmem:$0x1CF28] =	vst v63  }
0x50: {  	_ =	swait.ge [sflag:s2], $0x2710  }
0x51: {  	[sflag:s2] =	ssyncset.done $0x0  }
0x52: {  	s0 =	simm.s32 @!p0 $0x4;
	s20 =	rddreg [dreg:$0x12];
	[sflag:s2] =	ssyncadd.s32 $0xFFFFD8F0  }
0x53: {  	[spmem:s20] =	stream.linear.scatter [tilespmem:s8], [sflag:$0x5], $0x2710, $0x38;
	[tilespmem:$0x1CF28] =	vst v63  }
0x54: {  	_ =	swait.ge @!p0 [sflag:s0], $0x2710  }
0x55: {  	s18 =	simm.s32 @!p0 $0x8C00;
	[sflag:s0] =	ssyncset.done @!p0 $0x0  }
0x56: {  	s7 =	rddreg [dreg:$0xe];
	[sflag:s0] =	ssyncadd.s32 @!p0 $0xFFFFD8F0;
	s0 =	simm.s32 @!p0 $0x0  }
0x57: {  	[tilespmem:s18], [sflag:$0x3] =	stream.linear.gather @!p0 [hbm4b:s7+s0], $0x2710, $0x38;
	[tilespmem:$0x1CF28] =	vst v63  }
0x58: {  	s0 =	simm.s32 @!p0 $0x3  }
0x59: {  	_ =	swait.ge @!p0 [sflag:s0], $0x2710  }
0x5a: {  	[sflag:s0] =	ssyncset.done @!p0 $0x0  }
0x5b: {  	[sflag:s0] =	ssyncadd.s32 @!p0 $0xFFFFD8F0;
	s0 =	rddreg [dreg:$0x13]  }
0x5c: {  	[spmem:s0] =	stream.linear.scatter @!p0 [tilespmem:s18], [sflag:$0x4], $0x2710, $0x38;
	[tilespmem:$0x1CF28] =	vst v63  }
0x5d: {  	_ =	swait.ge [sflag:s24], $0x2710  }
0x5e: {  	[sflag:s24] =	ssyncset.done $0x0  }
0x5f: {  	[sflag:s24] =	ssyncadd.s32 $0xFFFFD8F0  }
0x60: {  	_ =	swait.ge [sflag:s25], $0x2710  }
0x61: {  	[sflag:s25] =	ssyncset.done $0x0  }
0x62: {  	s21 =	simm.s32 $0x20;
	s19 =	simm.s32 $0x30;
	[sflag:s25] =	ssyncadd.s32 $0xFFFFD8F0  }
0x63: {  	s22 =	simm.s32 $0x0;
	s19 =	sand.u32 $0x70, s19;
	_ =	swait.ge [sflag:s2], $0x1400  }
0x64: {  	s18 =	sand.u32 $0x1F80, s22;
	s0 =	sand.u32 $0x60, s21;
	[sflag:s2] =	ssyncset.done $0x0  }
0x65: {  	s20 =	simm.s32 $0x10;
	s0 =	sor.u32 s0, s18;
	[sflag:s2] =	ssyncadd.s32 $0xFFFFEC00  }
0x66: {  	s20 =	sand.u32 $0x50, s20;
	s21 =	simm.s32 $0x0;
	s23 =	sor.u32 s19, s18;
	v1 =	vld [tilespmem:s0+$0x0]  }
0x67: {  	s20 =	sor.u32 s20, s18;
	s24 =	sand.u32 $0x40, s21;
	v3 =	vld [tilespmem:s23+$0x0]  }
0x68: {  	s7 =	simm.s32 $0x50;
	s22 =	simm.s32 $0x70;
	s0 =	sor.u32 s24, s18;
	v0 =	vld [tilespmem:s20+$0x0]  }
0x69: {  	s9 =	sand.u32 $0x50, s7;
	s19 =	simm.s32 $0x100;
	s8 =	sand.u32 $0x70, s22;
	v2 =	vld [tilespmem:s0+$0x0]  }
0x6a: {  	s25 =	simm.s32 $0x60;
	s18 =	simm.s32 $0x40;
	s23 =	simm.s32 $0x40  }
0x6b: {  	s21 =	sand.u32 $0x60, s25;
	s20 =	sand.u32 $0x40, s18;
	s31 =	sand.u32 $0x1F80, s23;
	vm0 =	vgt.s32 v1, $0x0  }
0x6c: {  	s22 =	sor.u32 s20, s31;
	s23 =	sor.u32 s9, s31;
	s24 =	sor.u32 s21, s31;
	vm1 =	vgt.s32 v3, $0x0;
	v4 =	vnsel vm0, $0x0, v1  }
0x6d: {  	s21 =	simm.s32 $0x0;
	s20 =	simm.s32 $0x100;
	v1 =	vld [tilespmem:s24+$0x0];
	s24 =	sor.u32 s8, s31;
	vm0 =	vgt.s32 v0, $0x0;
	v3 =	vnsel vm1, $0x0, v3;
	v4 =	vmin.u32 v4, $0xF423F  }
.LBB2_2:
0x6e: {  	v5 =	vld [tilespmem:s24+$0x0];
	vm1 =	vgt.s32 v2, $0x0;
	v6 =	vnsel vm0, $0x0, v0;
	[tilespmem:s21+$0x3C20] =	vst v4;
	v3 =	vmin.u32 v3, $0xF423F;
	s0 =	smov.u32 s18;
	s18 =	sadd.s32 $0x40, s18  }
0x6f: {  	s19 =	sadd.s32 $0x100, s19;
	p1 =	slt.u32 s18, $0x13C0;
	v0 =	vld [tilespmem:s23+$0x0];
	v4 =	vnsel vm1, $0x0, v2;
	v6 =	vmin.u32 v6, $0xF423F;
	[tilespmem:s21+$0x3C30] =	vst v3;
	s23 =	sand.u32 $0x40, s18  }
.Ltmp0:
0x70: {  	s24 =	sadd.s32 $0x60, s0;
	s25 =	sadd.s32 $0x70, s0;
	v2 =	vld [tilespmem:s22+$0x0];
	v3 =	vmin.u32 v4, $0xF423F;
	[tilespmem:s21+$0x3C10] =	vst v6;
	(pc) =	sbr.rel @p1 .LBB2_2-.Ltmp0, $4  }
0x71: {  	s0 =	sadd.s32 $0x50, s0;
	s22 =	sshrl.u32 s19, $0x2;
	s25 =	sand.u32 $0x70, s25;
	[tilespmem:s21+$0x3C00] =	vst v3  }
0x72: {  	s0 =	sand.u32 $0x50, s0;
	s24 =	sand.u32 $0x60, s24;
	s21 =	sand.u32 $0x1F80, s22;
	vm0 =	vgt.s32 v1, $0x0  }
0x73: {  	s22 =	sor.u32 s23, s21;
	s23 =	sor.u32 s0, s21;
	s0 =	sor.u32 s24, s21;
	v3 =	vnsel vm0, $0x0, v1;
	vm1 =	vgt.s32 v5, $0x0  }
0x74: {  	s24 =	sor.u32 s25, s21;
	s21 =	sshra.s32 s20, $0x2;
	s20 =	smov.u32 s19;
	v1 =	vld [tilespmem:s0+$0x0];
	vm0 =	vgt.s32 v0, $0x0;
	v4 =	vmin.u32 v3, $0xF423F;
	v3 =	vnsel vm1, $0x0, v5  }
0x75: {  	v5 =	vld [tilespmem:s24+$0x0]  }
0x76: {  	v6 =	vld [tilespmem:s23+$0x0]  }
0x77: {  	v7 =	vld [tilespmem:s22+$0x0]  }
0x78: {  	[tilespmem:s21+$0x3C20] =	vst v4;
	v0 =	vnsel vm0, $0x0, v0;
	vm0 =	vgt.s32 v2, $0x0;
	v3 =	vmin.u32 v3, $0xF423F  }
0x79: {  	[tilespmem:s21+$0x3C30] =	vst v3;
	v2 =	vnsel vm0, $0x0, v2;
	v0 =	vmin.u32 v0, $0xF423F;
	vm0 =	vgt.s32 v1, $0x0  }
0x7a: {  	v2 =	vmin.u32 v2, $0xF423F;
	[tilespmem:s21+$0x3C10] =	vst v0;
	v0 =	vnsel vm0, $0x0, v1;
	vm0 =	vgt.s32 v5, $0x0  }
0x7b: {  	s0 =	sshra.s32 s20, $0x2;
	[tilespmem:s21+$0x3C00] =	vst v2;
	vm1 =	vgt.s32 v6, $0x0;
	v0 =	vmin.u32 v0, $0xF423F;
	v1 =	vnsel vm0, $0x0, v5  }
0x7c: {  	vm0 =	vgt.s32 v7, $0x0;
	v2 =	vnsel vm1, $0x0, v6;
	[tilespmem:s0+$0x3C20] =	vst v0;
	v0 =	vmin.u32 v1, $0xF423F  }
0x7d: {  	v1 =	vnsel vm0, $0x0, v7;
	v2 =	vmin.u32 v2, $0xF423F;
	[tilespmem:s0+$0x3C30] =	vst v0  }
0x7e: {  	v0 =	vmin.u32 v1, $0xF423F;
	[tilespmem:s0+$0x3C10] =	vst v2  }
0x7f: {  	[tilespmem:s0+$0x3C00] =	vst v0  }
0x80: {  	s18 =	simm.s32 $0x0;
	[bflag:$0x0] =	sbarrier.arrive $0xFFFF  }
0x81: {  	[tilespmem:s12], [sflag:$0x1] =	stream.indirect.gather [spmem:s3], $0x1, s11, s10, $0xb8;
	[tilespmem:$0x1CF28] =	vst v63  }
0x82: {  	s19 =	simm.s32 $0x0;
	s22 =	simm.s32 $0x30;
	s20 =	rddreg [dreg:$0x14]  }
0x83: {  	[tilespmem:s18], [sflag:$0x3] =	stream.strided.gather [hbm4b:s20+s29], $0x1400, s30, s29, $0x38;
	[tilespmem:$0x1CF28] =	vst v63  }
0x84: {  	s23 =	simm.s32 $0x10;
	s21 =	simm.s32 $0x20;
	_ =	swait.ge [sflag:s2], $0x1400  }
0x85: {  	s19 =	sand.u32 $0x1F80, s19;
	s0 =	sand.u32 $0x60, s21;
	[sflag:s2] =	ssyncset.done $0x0  }
0x86: {  	s0 =	sor.u32 s0, s19;
	s20 =	sand.u32 $0x70, s22;
	[sflag:s2] =	ssyncadd.s32 $0xFFFFEC00  }
0x87: {  	s24 =	simm.s32 $0x0;
	s21 =	sand.u32 $0x50, s23;
	s25 =	sor.u32 s20, s19;
	v1 =	vld [tilespmem:s0+$0x0]  }
0x88: {  	s31 =	sand.u32 $0x40, s24;
	s21 =	sor.u32 s21, s19;
	v3 =	vld [tilespmem:s25+$0x0]  }
0x89: {  	s7 =	simm.s32 $0x70;
	s22 =	simm.s32 $0x60;
	s0 =	sor.u32 s31, s19;
	v0 =	vld [tilespmem:s21+$0x0]  }
0x8a: {  	s8 =	simm.s32 $0x40;
	s20 =	simm.s32 $0x100;
	s22 =	sand.u32 $0x60, s22;
	v2 =	vld [tilespmem:s0+$0x0]  }
0x8b: {  	s19 =	simm.s32 $0x40;
	s25 =	simm.s32 $0x50;
	s31 =	sand.u32 $0x70, s7  }
0x8c: {  	s7 =	sand.u32 $0x1F80, s8;
	s21 =	sand.u32 $0x40, s19;
	s9 =	sand.u32 $0x50, s25;
	vm0 =	vgt.s32 v1, $0x0  }
0x8d: {  	s25 =	sor.u32 s22, s7;
	s22 =	simm.s32 $0x0;
	s23 =	sor.u32 s21, s7;
	vm1 =	vgt.s32 v3, $0x0;
	v4 =	vnsel vm0, $0x0, v1  }
0x8e: {  	s24 =	sor.u32 s9, s7;
	s21 =	simm.s32 $0x100;
	v1 =	vld [tilespmem:s25+$0x0];
	s25 =	sor.u32 s31, s7;
	vm0 =	vgt.s32 v0, $0x0;
	v3 =	vnsel vm1, $0x0, v3;
	v4 =	vmin.u32 v4, $0xF423F  }
.LBB2_4:
0x8f: {  	v5 =	vld [tilespmem:s25+$0x0];
	vm1 =	vgt.s32 v2, $0x0;
	v6 =	vnsel vm0, $0x0, v0;
	[tilespmem:s22+$0x5020] =	vst v4;
	v3 =	vmin.u32 v3, $0xF423F;
	s0 =	smov.u32 s19;
	s19 =	sadd.s32 $0x40, s19  }
0x90: {  	s20 =	sadd.s32 $0x100, s20;
	p1 =	slt.u32 s19, $0x13C0;
	v0 =	vld [tilespmem:s24+$0x0];
	v4 =	vnsel vm1, $0x0, v2;
	v6 =	vmin.u32 v6, $0xF423F;
	[tilespmem:s22+$0x5030] =	vst v3;
	s7 =	sand.u32 $0x40, s19  }
.Ltmp1:
0x91: {  	s24 =	sadd.s32 $0x60, s0;
	s25 =	sadd.s32 $0x70, s0;
	v2 =	vld [tilespmem:s23+$0x0];
	v3 =	vmin.u32 v4, $0xF423F;
	[tilespmem:s22+$0x5010] =	vst v6;
	(pc) =	sbr.rel @p1 .LBB2_4-.Ltmp1, $4  }
0x92: {  	s0 =	sadd.s32 $0x50, s0;
	s23 =	sshrl.u32 s20, $0x2;
	s25 =	sand.u32 $0x70, s25;
	[tilespmem:s22+$0x5000] =	vst v3  }
0x93: {  	s0 =	sand.u32 $0x50, s0;
	s31 =	sand.u32 $0x60, s24;
	s22 =	sand.u32 $0x1F80, s23;
	vm0 =	vgt.s32 v1, $0x0  }
0x94: {  	s23 =	sor.u32 s7, s22;
	s24 =	sor.u32 s0, s22;
	s0 =	sor.u32 s31, s22;
	v3 =	vnsel vm0, $0x0, v1;
	vm1 =	vgt.s32 v5, $0x0  }
0x95: {  	s25 =	sor.u32 s25, s22;
	s22 =	sshra.s32 s21, $0x2;
	s21 =	smov.u32 s20;
	v1 =	vld [tilespmem:s0+$0x0];
	vm0 =	vgt.s32 v0, $0x0;
	v4 =	vmin.u32 v3, $0xF423F;
	v3 =	vnsel vm1, $0x0, v5  }
0x96: {  	v5 =	vld [tilespmem:s25+$0x0]  }
0x97: {  	v6 =	vld [tilespmem:s24+$0x0]  }
0x98: {  	v7 =	vld [tilespmem:s23+$0x0]  }
0x99: {  	[tilespmem:s22+$0x5020] =	vst v4;
	v0 =	vnsel vm0, $0x0, v0;
	vm12 =	vgt.s32 v2, $0x0;
	v3 =	vmin.u32 v3, $0xF423F  }
0x9a: {  	[tilespmem:s22+$0x5030] =	vst v3;
	v2 =	vnsel vm12, $0x0, v2;
	v0 =	vmin.u32 v0, $0xF423F;
	vm13 =	vgt.s32 v1, $0x0  }
0x9b: {  	v2 =	vmin.u32 v2, $0xF423F;
	[tilespmem:s22+$0x5010] =	vst v0;
	v58 =	vnsel vm13, $0x0, v1;
	vm14 =	vgt.s32 v5, $0x0  }
0x9c: {  	s0 =	sshra.s32 s21, $0x2;
	[tilespmem:s22+$0x5000] =	vst v2;
	vm1 =	vgt.s32 v6, $0x0;
	v0 =	vmin.u32 v58, $0xF423F;
	v59 =	vnsel vm14, $0x0, v5  }
0x9d: {  	vm15 =	vgt.s32 v7, $0x0;
	v60 =	vnsel vm1, $0x0, v6;
	[tilespmem:s0+$0x5020] =	vst v0;
	v61 =	vmin.u32 v59, $0xF423F  }
0x9e: {  	v62 =	vnsel vm15, $0x0, v7;
	v2 =	vmin.u32 v60, $0xF423F;
	[tilespmem:s0+$0x5030] =	vst v61  }
0x9f: {  	v63 =	vmin.u32 v62, $0xF423F;
	[tilespmem:s0+$0x5010] =	vst v2  }
0xa0: {  	[tilespmem:s0+$0x5000] =	vst v63  }
.LBB2_6:
0xa1: {  	s20 =	sshll.u32 s18, $0x1  }
0xa2: {  	[tilespmem:s14], [sflag:$0x2] =	stream.indirect.gather [spmem:s3], $0x1, s13, s10, $0xb8;
	[tilespmem:$0x1CF28] =	vst v63  }
0xa3: {  	s0 =	sadd.s32 s20, s26  }
0xa4: {  	s7 =	sshrl.u32 s0, $0x7  }
0xa5: {  	s0 =	sshll.u32 s0, $0xA;
	s7 =	smul.u32 $0xA0000, s7  }
0xa6: {  	s0 =	sand.u32 $0x1F800, s0  }
0xa7: {  	s0 =	sor.u32 s0, s7  }
0xa8: {  	s0 =	sshrl.u32 s0, $0x3  }
0xa9: {  	s0 =	sadd.s32 s1, s0  }
0xaa: {  	[tilespmem:s5], [sflag:$0x3] =	stream.strided.gather [hbm4b:s0+s29], $0x1400, s30, s29, $0x38;
	[tilespmem:$0x1CF28] =	vst v63  }
0xab: {  	_ =	swait.ge [sflag:s15], $0x1400  }
0xac: {  	p1 =	seq.s32 s18, $0x0;
	[sflag:s15] =	ssyncset.done $0x0  }
0xad: {  	s0 =	simm.s32 @!p1 $0x4;
	[sflag:s15] =	ssyncadd.s32 $0xFFFFEC00  }
0xae: {  	s19 =	sshllo.u32 s18, $0x1;
	_ =	swait.ge @!p1 [sflag:s0], $0x1400  }
0xaf: {  	s21 =	simm.s32 $0x0;
	s22 =	simm.s32 $0x0;
	[sflag:s0] =	ssyncset.done @!p1 $0x0  }
0xb0: {  	s9 =	simm.s32 $0x30;
	[sflag:s0] =	ssyncadd.s32 @!p1 $0xFFFFEC00;
	s0 =	simm.s32 $0x0  }
0xb1: {  	s25 =	simm.s32 $0x20;
	s8 =	simm.s32 $0x10;
	s24 =	sand.u32 $0x7E00, s21;
	v1 =	vld [tilespmem:s0+$0x6430]  }
0xb2: {  	s23 =	sand.u32 $0x40, s22;
	s8 =	sand.u32 $0x50, s8;
	s31 =	sshrl.u32 s24, $0x2;
	v0 =	vld [tilespmem:s0+$0x6400]  }
0xb3: {  	s24 =	sand.u32 $0x60, s25;
	s25 =	sadd.s32 $0x1400, s31;
	s7 =	sand.u32 $0x70, s9;
	v2 =	vld [tilespmem:s0+$0x6420]  }
0xb4: {  	s31 =	sor.u32 s23, s25;
	s23 =	sor.u32 s8, s25;
	v3 =	vld [tilespmem:s0+$0x6410];
	s0 =	sor.u32 s7, s25  }
.LBB2_7:
0xb5: {  	s7 =	sor.u32 s24, s25  }
0xb6: {  	[tilespmem:s0+$0x0] =	vst v1;
	s21 =	sadd.s32 $0x100, s21;
	s0 =	smov.u32 s22;
	s22 =	sadd.s32 $0x40, s22  }
0xb7: {  	s8 =	sshra.s32 s21, $0x2;
	p2 =	slt.u32 s22, $0x13C0;
	[tilespmem:s31+$0x0] =	vst v0  }
.Ltmp2:
0xb8: {  	s31 =	sadd.s32 $0x70, s0;
	v1 =	vld [tilespmem:s8+$0x6430];
	[tilespmem:s7+$0x0] =	vst v2;
	(pc) =	sbr.rel @p2 .LBB2_7-.Ltmp2, $4  }
0xb9: {  	s24 =	sand.u32 $0x7E00, s21;
	s25 =	sadd.s32 $0x60, s0;
	s7 =	sand.u32 $0x40, s22;
	v0 =	vld [tilespmem:s8+$0x6400];
	[tilespmem:s23+$0x0] =	vst v3  }
0xba: {  	s0 =	sadd.s32 $0x50, s0;
	s23 =	sshrl.u32 s24, $0x2;
	s24 =	sand.u32 $0x60, s25;
	v2 =	vld [tilespmem:s8+$0x6420]  }
0xbb: {  	s0 =	sand.u32 $0x50, s0;
	s25 =	sadd.s32 $0x1400, s23;
	v3 =	vld [tilespmem:s8+$0x6410];
	s8 =	sand.u32 $0x70, s31  }
0xbc: {  	s31 =	sor.u32 s7, s25;
	s23 =	sor.u32 s0, s25;
	s0 =	sor.u32 s8, s25  }
0xbd: {  	s7 =	sadd.s32 s4, s20  }
0xbe: {  	s8 =	sshrl.u32 s7, $0x7  }
0xbf: {  	s7 =	sshll.u32 s7, $0xA;
	s8 =	smul.u32 $0xA0000, s8  }
0xc0: {  	[tilespmem:s0+$0x0] =	vst v1;
	s21 =	sand.u32 $0x1F800, s7  }
0xc1: {  	s22 =	sor.u32 s24, s25;
	[tilespmem:s31+$0x0] =	vst v0;
	s0 =	sor.u32 s21, s8  }
0xc2: {  	[tilespmem:s22+$0x0] =	vst v2;
	s0 =	sshrl.u32 s0, $0x3  }
0xc3: {  	s24 =	simm.s32 $0x0;
	s25 =	simm.s32 $0x30;
	[tilespmem:s23+$0x0] =	vst v3;
	s0 =	sadd.s32 s6, s0  }
0xc4: {  	[hbm4b:s0+s29] =	stream.strided.scatter [tilespmem:s10], [sflag:$0x4], $0x1400, s30, s29, $0x38;
	[tilespmem:$0x1CF28] =	vst v63  }
0xc5: {  	s7 =	sand.u32 $0x1F80, s24;
	s23 =	simm.s32 $0x20;
	_ =	swait.ge [sflag:s2], $0x1400  }
0xc6: {  	s21 =	simm.s32 $0x10;
	s0 =	sand.u32 $0x60, s23;
	[sflag:s2] =	ssyncset.done $0x0  }
0xc7: {  	s8 =	sand.u32 $0x70, s25;
	s0 =	sor.u32 s0, s7;
	[sflag:s2] =	ssyncadd.s32 $0xFFFFEC00  }
0xc8: {  	s22 =	simm.s32 $0x0;
	s21 =	sand.u32 $0x50, s21;
	s9 =	sor.u32 s8, s7;
	v1 =	vld [tilespmem:s0+$0x0]  }
0xc9: {  	s22 =	sand.u32 $0x40, s22;
	s23 =	sor.u32 s21, s7;
	v3 =	vld [tilespmem:s9+$0x0]  }
0xca: {  	s24 =	simm.s32 $0x70;
	s8 =	simm.s32 $0x60;
	s0 =	sor.u32 s22, s7;
	v0 =	vld [tilespmem:s23+$0x0]  }
0xcb: {  	s25 =	simm.s32 $0x40;
	s8 =	sand.u32 $0x60, s8;
	s21 =	simm.s32 $0x40;
	v2 =	vld [tilespmem:s0+$0x0]  }
0xcc: {  	s22 =	simm.s32 $0x100;
	s7 =	sand.u32 $0x40, s21;
	s9 =	simm.s32 $0x50  }
0xcd: {  	s23 =	sand.u32 $0x70, s24;
	s24 =	sand.u32 $0x1F80, s25;
	s31 =	sand.u32 $0x50, s9;
	vm0 =	vgt.s32 v1, $0x0  }
0xce: {  	s25 =	sor.u32 s7, s24;
	s9 =	sor.u32 s8, s24;
	s0 =	sor.u32 s23, s24;
	vm1 =	vgt.s32 v3, $0x0;
	v4 =	vnsel vm0, $0x0, v1  }
0xcf: {  	s23 =	simm.s32 $0x100;
	s31 =	sor.u32 s31, s24;
	s24 =	simm.s32 $0x0;
	v1 =	vld [tilespmem:s9+$0x0];
	vm0 =	vgt.s32 v0, $0x0;
	v3 =	vnsel vm1, $0x0, v3;
	v4 =	vmin.u32 v4, $0xF423F  }
.LBB2_9:
0xd0: {  	v5 =	vld [tilespmem:s0+$0x0];
	vm1 =	vgt.s32 v2, $0x0;
	v6 =	vnsel vm0, $0x0, v0;
	[tilespmem:s24+$0x3C20] =	vst v4;
	v3 =	vmin.u32 v3, $0xF423F;
	s0 =	smov.u32 s21;
	s21 =	sadd.s32 $0x40, s21  }
0xd1: {  	s22 =	sadd.s32 $0x100, s22;
	p2 =	slt.u32 s21, $0x13C0;
	v0 =	vld [tilespmem:s31+$0x0];
	v4 =	vnsel vm1, $0x0, v2;
	v6 =	vmin.u32 v6, $0xF423F;
	[tilespmem:s24+$0x3C30] =	vst v3;
	s7 =	sand.u32 $0x40, s21  }
.Ltmp3:
0xd2: {  	s8 =	sadd.s32 $0x60, s0;
	s31 =	sadd.s32 $0x70, s0;
	v2 =	vld [tilespmem:s25+$0x0];
	v3 =	vmin.u32 v4, $0xF423F;
	[tilespmem:s24+$0x3C10] =	vst v6;
	(pc) =	sbr.rel @p2 .LBB2_9-.Ltmp3, $4  }
0xd3: {  	s0 =	sadd.s32 $0x50, s0;
	s25 =	sshrl.u32 s22, $0x2;
	s9 =	sand.u32 $0x70, s31;
	[tilespmem:s24+$0x3C00] =	vst v3  }
0xd4: {  	s0 =	sand.u32 $0x50, s0;
	s8 =	sand.u32 $0x60, s8;
	s24 =	sand.u32 $0x1F80, s25;
	vm0 =	vgt.s32 v1, $0x0  }
0xd5: {  	s25 =	sor.u32 s7, s24;
	s31 =	sor.u32 s0, s24;
	s0 =	sor.u32 s8, s24;
	v3 =	vnsel vm0, $0x0, v1;
	vm1 =	vgt.s32 v5, $0x0  }
0xd6: {  	v1 =	vld [tilespmem:s0+$0x0];
	s0 =	sor.u32 s9, s24;
	s24 =	sshra.s32 s23, $0x2;
	vm0 =	vgt.s32 v0, $0x0;
	v4 =	vmin.u32 v3, $0xF423F;
	v3 =	vnsel vm1, $0x0, v5;
	s23 =	smov.u32 s22  }
0xd7: {  	v5 =	vld [tilespmem:s0+$0x0]  }
0xd8: {  	v6 =	vld [tilespmem:s31+$0x0]  }
0xd9: {  	v7 =	vld [tilespmem:s25+$0x0]  }
0xda: {  	[tilespmem:s24+$0x3C20] =	vst v4;
	v0 =	vnsel vm0, $0x0, v0;
	vm12 =	vgt.s32 v2, $0x0;
	v3 =	vmin.u32 v3, $0xF423F  }
0xdb: {  	[tilespmem:s24+$0x3C30] =	vst v3;
	v2 =	vnsel vm12, $0x0, v2;
	v0 =	vmin.u32 v0, $0xF423F;
	vm13 =	vgt.s32 v1, $0x0  }
0xdc: {  	s25 =	sadd.s32 s20, s28;
	v2 =	vmin.u32 v2, $0xF423F;
	[tilespmem:s24+$0x3C10] =	vst v0;
	v0 =	vnsel vm13, $0x0, v1;
	vm14 =	vgt.s32 v5, $0x0  }
0xdd: {  	s7 =	sshrl.u32 s25, $0x7;
	[tilespmem:s24+$0x3C00] =	vst v2;
	s24 =	sshra.s32 s23, $0x2;
	vm1 =	vgt.s32 v6, $0x0;
	v0 =	vmin.u32 v0, $0xF423F;
	v1 =	vnsel vm14, $0x0, v5  }
0xde: {  	s0 =	sshll.u32 s25, $0xA;
	s7 =	smul.u32 $0xA0000, s7;
	vm15 =	vgt.s32 v7, $0x0;
	v2 =	vnsel vm1, $0x0, v6;
	[tilespmem:s24+$0x3C20] =	vst v0;
	v0 =	vmin.u32 v1, $0xF423F  }
0xdf: {  	s0 =	sand.u32 $0x1FC00, s0;
	v1 =	vnsel vm15, $0x0, v7;
	v2 =	vmin.u32 v2, $0xF423F;
	[tilespmem:s24+$0x3C30] =	vst v0  }
0xe0: {  	s0 =	sor.u32 s0, s7;
	v0 =	vmin.u32 v1, $0xF423F;
	[tilespmem:s24+$0x3C10] =	vst v2  }
0xe1: {  	s0 =	sshrl.u32 s0, $0x3;
	[tilespmem:s24+$0x3C00] =	vst v0  }
0xe2: {  	[tilespmem:s12], [sflag:$0x1] =	stream.indirect.gather [spmem:s3], $0x1, s11, s10, $0xb8;
	[tilespmem:$0x1CF28] =	vst v63  }
0xe3: {  	s0 =	sadd.s32 s1, s0  }
0xe4: {  	[tilespmem:s5], [sflag:$0x3] =	stream.strided.gather [hbm4b:s0+s29], $0x1400, s30, s29, $0x38;
	[tilespmem:$0x1CF28] =	vst v63  }
0xe5: {  	_ =	swait.ge [sflag:s16], $0x1400  }
0xe6: {  	[sflag:s16] =	ssyncset.done $0x0  }
0xe7: {  	s0 =	simm.s32 @!p1 $0x5;
	[sflag:s16] =	ssyncadd.s32 $0xFFFFEC00  }
0xe8: {  	_ =	swait.ge @!p1 [sflag:s0], $0x1400  }
0xe9: {  	s20 =	simm.s32 $0x0;
	s21 =	simm.s32 $0x0;
	[sflag:s0] =	ssyncset.done @!p1 $0x0  }
0xea: {  	s22 =	simm.s32 $0x20;
	[sflag:s0] =	ssyncadd.s32 @!p1 $0xFFFFEC00;
	s0 =	simm.s32 $0x0  }
0xeb: {  	s31 =	simm.s32 $0x10;
	s8 =	sand.u32 $0x40, s21;
	s9 =	sand.u32 $0x7E00, s20;
	v1 =	vld [tilespmem:s0+$0x7830]  }
0xec: {  	s31 =	sand.u32 $0x50, s31;
	s9 =	sshrl.u32 s9, $0x2;
	s7 =	simm.s32 $0x30;
	v0 =	vld [tilespmem:s0+$0x7800]  }
0xed: {  	s23 =	sand.u32 $0x60, s22;
	s7 =	sand.u32 $0x70, s7;
	s24 =	sadd.s32 $0x2800, s9;
	v2 =	vld [tilespmem:s0+$0x7820]  }
0xee: {  	s25 =	sor.u32 s8, s24;
	s22 =	sor.u32 s31, s24;
	v3 =	vld [tilespmem:s0+$0x7810];
	s0 =	sor.u32 s7, s24  }
.LBB2_11:
0xef: {  	s7 =	sor.u32 s23, s24  }
0xf0: {  	[tilespmem:s0+$0x0] =	vst v1;
	s20 =	sadd.s32 $0x100, s20;
	s0 =	smov.u32 s21;
	s21 =	sadd.s32 $0x40, s21  }
0xf1: {  	s8 =	sshra.s32 s20, $0x2;
	p1 =	slt.u32 s21, $0x13C0;
	[tilespmem:s25+$0x0] =	vst v0  }
.Ltmp4:
0xf2: {  	s9 =	sadd.s32 $0x70, s0;
	v1 =	vld [tilespmem:s8+$0x7830];
	[tilespmem:s7+$0x0] =	vst v2;
	(pc) =	sbr.rel @p1 .LBB2_11-.Ltmp4, $4  }
0xf3: {  	s23 =	sand.u32 $0x7E00, s20;
	s24 =	sadd.s32 $0x60, s0;
	s7 =	sand.u32 $0x40, s21;
	v0 =	vld [tilespmem:s8+$0x7800];
	[tilespmem:s22+$0x0] =	vst v3  }
0xf4: {  	s0 =	sadd.s32 $0x50, s0;
	s22 =	sshrl.u32 s23, $0x2;
	s23 =	sand.u32 $0x60, s24;
	v2 =	vld [tilespmem:s8+$0x7820]  }
0xf5: {  	s0 =	sand.u32 $0x50, s0;
	s24 =	sadd.s32 $0x2800, s22;
	v3 =	vld [tilespmem:s8+$0x7810];
	s8 =	sand.u32 $0x70, s9  }
0xf6: {  	s25 =	sor.u32 s7, s24;
	s22 =	sor.u32 s0, s24;
	s0 =	sor.u32 s8, s24  }
0xf7: {  	s7 =	sadd.s32 s4, s19  }
0xf8: {  	s8 =	sshrl.u32 s7, $0x7  }
0xf9: {  	s7 =	sshll.u32 s7, $0xA;
	s8 =	smul.u32 $0xA0000, s8  }
0xfa: {  	[tilespmem:s0+$0x0] =	vst v1;
	s19 =	sand.u32 $0x1FC00, s7  }
0xfb: {  	s20 =	sor.u32 s23, s24;
	[tilespmem:s25+$0x0] =	vst v0;
	s0 =	sor.u32 s19, s8  }
0xfc: {  	[tilespmem:s20+$0x0] =	vst v2;
	s0 =	sshrl.u32 s0, $0x3  }
0xfd: {  	s21 =	simm.s32 $0x20;
	s23 =	simm.s32 $0x30;
	[tilespmem:s22+$0x0] =	vst v3;
	s0 =	sadd.s32 s6, s0  }
0xfe: {  	[hbm4b:s0+s29] =	stream.strided.scatter [tilespmem:s17], [sflag:$0x5], $0x1400, s30, s29, $0x38;
	[tilespmem:$0x1CF28] =	vst v63  }
0xff: {  	s9 =	simm.s32 $0x10;
	s22 =	simm.s32 $0x0;
	_ =	swait.ge [sflag:s2], $0x1400  }
0x100: {  	s7 =	sand.u32 $0x1F80, s22;
	s0 =	sand.u32 $0x60, s21;
	[sflag:s2] =	ssyncset.done $0x0  }
0x101: {  	s8 =	sand.u32 $0x70, s23;
	s0 =	sor.u32 s0, s7;
	[sflag:s2] =	ssyncadd.s32 $0xFFFFEC00  }
0x102: {  	s24 =	simm.s32 $0x0;
	s9 =	sand.u32 $0x50, s9;
	s25 =	sor.u32 s8, s7;
	v1 =	vld [tilespmem:s0+$0x0]  }
0x103: {  	s31 =	sand.u32 $0x40, s24;
	s9 =	sor.u32 s9, s7;
	v3 =	vld [tilespmem:s25+$0x0]  }
0x104: {  	s24 =	simm.s32 $0x70;
	s20 =	simm.s32 $0x100;
	s7 =	sor.u32 s31, s7;
	v0 =	vld [tilespmem:s9+$0x0]  }
0x105: {  	s19 =	simm.s32 $0x40;
	s23 =	simm.s32 $0x60;
	s21 =	simm.s32 $0x40;
	v2 =	vld [tilespmem:s7+$0x0]  }
0x106: {  	s8 =	sand.u32 $0x60, s23;
	s31 =	sand.u32 $0x40, s19;
	s21 =	sand.u32 $0x1F80, s21  }
0x107: {  	s23 =	sor.u32 s31, s21;
	s25 =	simm.s32 $0x50;
	s9 =	sand.u32 $0x70, s24;
	vm0 =	vgt.s32 v1, $0x0  }
0x108: {  	s31 =	sor.u32 s8, s21;
	s22 =	sand.u32 $0x50, s25;
	s0 =	sor.u32 s9, s21;
	vm1 =	vgt.s32 v3, $0x0;
	v4 =	vnsel vm0, $0x0, v1  }
0x109: {  	s24 =	sor.u32 s22, s21;
	s22 =	simm.s32 $0x0;
	s21 =	simm.s32 $0x100;
	v1 =	vld [tilespmem:s31+$0x0];
	vm0 =	vgt.s32 v0, $0x0;
	v3 =	vnsel vm1, $0x0, v3;
	v4 =	vmin.u32 v4, $0xF423F  }
.LBB2_13:
0x10a: {  	v5 =	vld [tilespmem:s0+$0x0];
	vm1 =	vgt.s32 v2, $0x0;
	v6 =	vnsel vm0, $0x0, v0;
	[tilespmem:s22+$0x5020] =	vst v4;
	v3 =	vmin.u32 v3, $0xF423F;
	s0 =	smov.u32 s19;
	s19 =	sadd.s32 $0x40, s19  }
0x10b: {  	s20 =	sadd.s32 $0x100, s20;
	p1 =	slt.u32 s19, $0x13C0;
	v0 =	vld [tilespmem:s24+$0x0];
	v4 =	vnsel vm1, $0x0, v2;
	v6 =	vmin.u32 v6, $0xF423F;
	[tilespmem:s22+$0x5030] =	vst v3;
	s7 =	sand.u32 $0x40, s19  }
.Ltmp5:
0x10c: {  	s8 =	sadd.s32 $0x60, s0;
	s9 =	sadd.s32 $0x70, s0;
	v2 =	vld [tilespmem:s23+$0x0];
	v3 =	vmin.u32 v4, $0xF423F;
	[tilespmem:s22+$0x5010] =	vst v6;
	(pc) =	sbr.rel @p1 .LBB2_13-.Ltmp5, $4  }
0x10d: {  	s0 =	sadd.s32 $0x50, s0;
	s23 =	sshrl.u32 s20, $0x2;
	s9 =	sand.u32 $0x70, s9;
	[tilespmem:s22+$0x5000] =	vst v3  }
0x10e: {  	s0 =	sand.u32 $0x50, s0;
	s8 =	sand.u32 $0x60, s8;
	s22 =	sand.u32 $0x1F80, s23;
	vm0 =	vgt.s32 v1, $0x0  }
0x10f: {  	s23 =	sor.u32 s7, s22;
	s24 =	sor.u32 s0, s22;
	s0 =	sor.u32 s8, s22;
	v3 =	vnsel vm0, $0x0, v1;
	vm1 =	vgt.s32 v5, $0x0  }
0x110: {  	v1 =	vld [tilespmem:s0+$0x0];
	s0 =	sor.u32 s9, s22;
	s22 =	sshra.s32 s21, $0x2;
	vm0 =	vgt.s32 v0, $0x0;
	v4 =	vmin.u32 v3, $0xF423F;
	v3 =	vnsel vm1, $0x0, v5;
	s21 =	smov.u32 s20  }
0x111: {  	v5 =	vld [tilespmem:s0+$0x0]  }
0x112: {  	v6 =	vld [tilespmem:s24+$0x0]  }
0x113: {  	v7 =	vld [tilespmem:s23+$0x0]  }
0x114: {  	[tilespmem:s22+$0x5020] =	vst v4;
	v0 =	vnsel vm0, $0x0, v0;
	vm12 =	vgt.s32 v2, $0x0;
	v3 =	vmin.u32 v3, $0xF423F  }
0x115: {  	s18 =	sadd.s32 $0x1, s18;
	[tilespmem:s22+$0x5030] =	vst v3;
	v2 =	vnsel vm12, $0x0, v2;
	v0 =	vmin.u32 v0, $0xF423F;
	vm13 =	vgt.s32 v1, $0x0  }
0x116: {  	p1 =	sne.s32 s18, $0x9;
	v2 =	vmin.u32 v2, $0xF423F;
	[tilespmem:s22+$0x5010] =	vst v0;
	v58 =	vnsel vm13, $0x0, v1;
	vm14 =	vgt.s32 v5, $0x0  }
.Ltmp6:
0x117: {  	s31 =	sshra.s32 s21, $0x2;
	[tilespmem:s22+$0x5000] =	vst v2;
	vm1 =	vgt.s32 v6, $0x0;
	v0 =	vmin.u32 v58, $0xF423F;
	v59 =	vnsel vm14, $0x0, v5;
	(pc) =	sbr.rel @p1 .LBB2_6-.Ltmp6, $4  }
0x118: {  	vm15 =	vgt.s32 v7, $0x0;
	v60 =	vnsel vm1, $0x0, v6;
	[tilespmem:s31+$0x5020] =	vst v0;
	v61 =	vmin.u32 v59, $0xF423F  }
0x119: {  	v62 =	vnsel vm15, $0x0, v7;
	v2 =	vmin.u32 v60, $0xF423F;
	[tilespmem:s31+$0x5030] =	vst v61  }
0x11a: {  	v63 =	vmin.u32 v62, $0xF423F;
	[tilespmem:s31+$0x5010] =	vst v2  }
0x11b: {  	[tilespmem:s31+$0x5000] =	vst v63  }
0x11c: {  	[tilespmem:s14], [sflag:$0x2] =	stream.indirect.gather [spmem:s3], $0x1, s13, s10, $0xb8;
	[tilespmem:$0x1CF28] =	vst v63  }
0x11d: {  	_ =	swait.ge [sflag:s15], $0x1400  }
0x11e: {  	[sflag:s15] =	ssyncset.done $0x0  }
0x11f: {  	s24 =	simm.s32 $0x4;
	[sflag:s15] =	ssyncadd.s32 $0xFFFFEC00  }
0x120: {  	s18 =	simm.s32 $0x0;
	_ =	swait.ge [sflag:s24], $0x1400  }
0x121: {  	s19 =	simm.s32 $0x0;
	s0 =	simm.s32 $0x0;
	[sflag:s24] =	ssyncset.done $0x0  }
0x122: {  	s7 =	simm.s32 $0x30;
	s20 =	simm.s32 $0x20;
	[sflag:s24] =	ssyncadd.s32 $0xFFFFEC00  }
0x123: {  	s23 =	simm.s32 $0x10;
	s25 =	simm.s32 $0x5;
	s9 =	sand.u32 $0x7E00, s18;
	v1 =	vld [tilespmem:s0+$0x6430]  }
0x124: {  	s8 =	sand.u32 $0x40, s19;
	s21 =	sand.u32 $0x60, s20;
	s9 =	sshrl.u32 s9, $0x2;
	v0 =	vld [tilespmem:s0+$0x6400]  }
0x125: {  	s31 =	sand.u32 $0x50, s23;
	s7 =	sand.u32 $0x70, s7;
	s22 =	sadd.s32 $0x1400, s9;
	v2 =	vld [tilespmem:s0+$0x6420]  }
0x126: {  	s23 =	sor.u32 s8, s22;
	s20 =	sor.u32 s31, s22;
	v3 =	vld [tilespmem:s0+$0x6410];
	s0 =	sor.u32 s7, s22  }
.LBB2_16:
0x127: {  	s7 =	sor.u32 s21, s22  }
0x128: {  	[tilespmem:s0+$0x0] =	vst v1;
	s18 =	sadd.s32 $0x100, s18;
	s0 =	smov.u32 s19;
	s19 =	sadd.s32 $0x40, s19  }
0x129: {  	s8 =	sshra.s32 s18, $0x2;
	p1 =	slt.u32 s19, $0x13C0;
	[tilespmem:s23+$0x0] =	vst v0  }
.Ltmp7:
0x12a: {  	s9 =	sadd.s32 $0x70, s0;
	v1 =	vld [tilespmem:s8+$0x6430];
	[tilespmem:s7+$0x0] =	vst v2;
	(pc) =	sbr.rel @p1 .LBB2_16-.Ltmp7, $4  }
0x12b: {  	s21 =	sand.u32 $0x7E00, s18;
	s22 =	sadd.s32 $0x60, s0;
	s7 =	sand.u32 $0x40, s19;
	v0 =	vld [tilespmem:s8+$0x6400];
	[tilespmem:s20+$0x0] =	vst v3  }
0x12c: {  	s0 =	sadd.s32 $0x50, s0;
	s20 =	sshrl.u32 s21, $0x2;
	s21 =	sand.u32 $0x60, s22;
	v2 =	vld [tilespmem:s8+$0x6420]  }
0x12d: {  	s0 =	sand.u32 $0x50, s0;
	s22 =	sadd.s32 $0x1400, s20;
	v3 =	vld [tilespmem:s8+$0x6410];
	s8 =	sand.u32 $0x70, s9  }
0x12e: {  	s23 =	sor.u32 s7, s22;
	s20 =	sor.u32 s0, s22;
	s0 =	sor.u32 s8, s22  }
0x12f: {  	[tilespmem:s0+$0x0] =	vst v1  }
0x130: {  	s22 =	sor.u32 s21, s22;
	[tilespmem:s23+$0x0] =	vst v0  }
0x131: {  	[tilespmem:s22+$0x0] =	vst v2  }
0x132: {  	[tilespmem:s20+$0x0] =	vst v3  }
0x133: {  	s0 =	rddreg [dreg:$0x15]  }
0x134: {  	[hbm4b:s0+s29] =	stream.strided.scatter [tilespmem:s10], [sflag:$0x4], $0x1400, s30, s29, $0x38;
	[tilespmem:$0x1CF28] =	vst v63  }
0x135: {  	_ =	swait.ge [sflag:s16], $0x1400  }
0x136: {  	[sflag:s16] =	ssyncset.done $0x0  }
0x137: {  	[sflag:s16] =	ssyncadd.s32 $0xFFFFEC00  }
0x138: {  	_ =	swait.ge [sflag:s25], $0x1400  }
0x139: {  	s18 =	simm.s32 $0x0;
	s19 =	simm.s32 $0x0;
	[sflag:s25] =	ssyncset.done $0x0  }
0x13a: {  	s7 =	simm.s32 $0x30;
	s0 =	simm.s32 $0x0;
	[sflag:s25] =	ssyncadd.s32 $0xFFFFEC00  }
0x13b: {  	s31 =	simm.s32 $0x10;
	s8 =	sand.u32 $0x40, s19;
	s9 =	sand.u32 $0x7E00, s18;
	v1 =	vld [tilespmem:s0+$0x7830]  }
0x13c: {  	s23 =	simm.s32 $0x20;
	s31 =	sand.u32 $0x50, s31;
	s9 =	sshrl.u32 s9, $0x2;
	v0 =	vld [tilespmem:s0+$0x7800]  }
0x13d: {  	s7 =	sand.u32 $0x70, s7;
	s21 =	sand.u32 $0x60, s23;
	s22 =	sadd.s32 $0x2800, s9;
	v2 =	vld [tilespmem:s0+$0x7820]  }
0x13e: {  	s23 =	sor.u32 s8, s22;
	s20 =	sor.u32 s31, s22;
	v3 =	vld [tilespmem:s0+$0x7810];
	s0 =	sor.u32 s7, s22  }
.LBB2_18:
0x13f: {  	s7 =	sor.u32 s21, s22  }
0x140: {  	[tilespmem:s0+$0x0] =	vst v1;
	s18 =	sadd.s32 $0x100, s18;
	s0 =	smov.u32 s19;
	s19 =	sadd.s32 $0x40, s19  }
0x141: {  	s8 =	sshra.s32 s18, $0x2;
	p1 =	slt.u32 s19, $0x13C0;
	[tilespmem:s23+$0x0] =	vst v0  }
.Ltmp8:
0x142: {  	s9 =	sadd.s32 $0x70, s0;
	v1 =	vld [tilespmem:s8+$0x7830];
	[tilespmem:s7+$0x0] =	vst v2;
	(pc) =	sbr.rel @p1 .LBB2_18-.Ltmp8, $4  }
0x143: {  	s21 =	sand.u32 $0x7E00, s18;
	s22 =	sadd.s32 $0x60, s0;
	s7 =	sand.u32 $0x40, s19;
	v0 =	vld [tilespmem:s8+$0x7800];
	[tilespmem:s20+$0x0] =	vst v3  }
0x144: {  	s0 =	sadd.s32 $0x50, s0;
	s20 =	sshrl.u32 s21, $0x2;
	s21 =	sand.u32 $0x60, s22;
	v2 =	vld [tilespmem:s8+$0x7820]  }
0x145: {  	s0 =	sand.u32 $0x50, s0;
	s22 =	sadd.s32 $0x2800, s20;
	v3 =	vld [tilespmem:s8+$0x7810];
	s8 =	sand.u32 $0x70, s9  }
0x146: {  	s23 =	sor.u32 s7, s22;
	s20 =	sor.u32 s0, s22;
	s0 =	sor.u32 s8, s22  }
0x147: {  	[tilespmem:s0+$0x0] =	vst v1  }
0x148: {  	s22 =	sor.u32 s21, s22;
	[tilespmem:s23+$0x0] =	vst v0  }
0x149: {  	[tilespmem:s22+$0x0] =	vst v2  }
0x14a: {  	[tilespmem:s20+$0x0] =	vst v3  }
0x14b: {  	s0 =	rddreg [dreg:$0x16]  }
0x14c: {  	[hbm4b:s0+s29] =	stream.strided.scatter [tilespmem:s17], [sflag:$0x5], $0x1400, s30, s29, $0x38;
	[tilespmem:$0x1CF28] =	vst v63  }
0x14d: {  	_ =	swait.ge [sflag:s24], $0x1400  }
0x14e: {  	[sflag:s24] =	ssyncset.done $0x0  }
0x14f: {  	[sflag:s24] =	ssyncadd.s32 $0xFFFFEC00  }
0x150: {  	_ =	swait.ge [sflag:s25], $0x1400  }
0x151: {  	s7 =	rddreg [dreg:$0x18]  }
0x152: {  	s31 =	rddreg [dreg:$0x17];
	s7 =	sadd.s32 $0x1, s7  }
0x153: {  	p1 =	sne.s32 s7, s31  }
.Ltmp9:
0x154: {  	_ = 	snop;
	(pc) =	sbr.rel @p1 .LBB2_1-.Ltmp9, $3  }
0x155: {  	_ =	sdelay $0x1  }
0x156: {  	[sflag:s25] =	ssyncset.done $0x0  }
0x157: {  	[sflag:s25] =	ssyncadd.s32 $0xFFFFEC00  }
0x158: {  	_ =	sfence.sel $0x180000  }
0x159: {  	[bflag:$0x0] =	sbarrier.arrive $0xFFFF  }
0x15a: {  	_ =	strace $0x90000047  }
0x15b: {  	s0 =	stileid.u32;
	[bflag:$0x2] =	sbarrier.arrive $0xFFFF  }
0x15c: {  	p0 =	sne.s32 s0, $0x0;
	s0 =	rddreg [dreg:$0x4]  }
0x15d: {  	s0 =	sadd.s32 @!p0 $0x100000, s0  }
0x15e: {  	[sflag:s0] =	ssyncadd.tile.s32 @!p0 $0x1;
	_ =	shalt  }
.Lfunc_end2:
_tile_overlayer_lowered:
.L_overlay_start_2:
0x15f: {  	(tag) =	ssettag $0x2  }
0x160: {  	s0 =	rddreg [dreg:$0x0];
	s2 =	stileid.u32  }
0x161: {  	s1 =	rddreg [dreg:$0x1];
	p0 =	sne.s32 s2, $0x0  }
0x162: {  	s3 =	rddreg [dreg:$0x2];
	[bflag:$0x3] =	sbarrier.arrive $0xFFFF;
	s2 =	simm.s32 @!p0 $0x1C06  }
0x163: {  	[timem:s3], [sflag:s2] =	dma.local @!p0 [hbm:s0], s1  }
0x164: {  	s0 =	simm.s32 @!p0 $0x6  }
0x165: {  	_ =	swait.ge @!p0 [sflag:s0], s1  }
0x166: {  	s1 =	ssub.s32 @!p0 $0x0, s1;
	[sflag:s0] =	ssyncset.done @!p0 $0x0  }
0x167: {  	[sflag:s0] =	ssyncadd.s32 @!p0 s1  }
0x168: {  	[bflag:$0x3] =	sbarrier.arrive $0xFFFF  }
0x169: {  	_ =	shalt  }

</sc_bundles>
